<compile_context>
chip_gen: v7x
topology: tpu7x:2x2x1
jax: 0.10.2.dev20260603
libtpu: 0.0.44.dev20260713+nightly
codegen_flags: <defaults>
</compile_context>

<pallas_src>
import functools

import jax
import jax.numpy as jnp
from jax import lax
from jax.experimental import pallas as pl
from jax.experimental.pallas import tpu as pltpu
from jax.experimental.pallas import tpu_sc as plsc

LANES = 16
NUM_SC_CORES = 2
NUM_SUBCORES = 16
CHUNK = 128


def _proj_body(x_ref, wl_ref, bl_ref, p_ref):
    rr = pl.program_id(0)
    n_rel = bl_ref.shape[0]
    bias = bl_ref[0:1, :]
    for k in range(1, n_rel):
        bias = jnp.where(rr == k, bl_ref[k:k + 1, :], bias)
    p_ref[...] = (
        jnp.dot(x_ref[...], wl_ref[...], preferred_element_type=jnp.float32)
        + bias
    )


def _hidden_body(x_ref, ws_ref, bs_ref, h_ref):
    h_ref[...] = (
        jnp.dot(x_ref[...], ws_ref[...], preferred_element_type=jnp.float32)
        + bs_ref[...]
    )


def _combine_body(h_ref, a_ref, o_ref):
    a = a_ref[...]
    o_ref[...] = jnp.maximum(h_ref[...] + a[0] + a[1], 0.0)


def _sc_body(n_nodes, d, n_relations, n_chunks_per_core, p_hbm, src_hbm,
             typ_hbm, dst_hbm, out_hbm, acc, src_v, typ_v, dst_v, key_v,
             rows_v, zero_v, gsem0, gsem1, isem, ssem):
    gsems = (gsem0, gsem1)
    cid = lax.axis_index("c")
    sid = lax.axis_index("s")

    zrows = zero_v.shape[0]
    n_strips = n_nodes // zrows
    strip_iters = (n_strips + NUM_SUBCORES - 1) // NUM_SUBCORES

    max_iters = (n_chunks_per_core + NUM_SUBCORES - 1) // NUM_SUBCORES

    def edge_base(chunk):
        return (cid * n_chunks_per_core + chunk) * CHUNK

    def issue_idx(chunk, s):
        base = edge_base(chunk)
        pltpu.async_copy(src_hbm.at[pl.ds(base, CHUNK)], src_v.at[s], isem)
        pltpu.async_copy(typ_hbm.at[pl.ds(base, CHUNK)], typ_v.at[s], isem)
        pltpu.async_copy(dst_hbm.at[pl.ds(base, CHUNK)], dst_v.at[s], isem)

    def wait_idx_compute_key(chunk, s):
        base = edge_base(chunk)
        pltpu.make_async_copy(src_hbm.at[pl.ds(base, CHUNK)], src_v.at[s], isem).wait()
        pltpu.make_async_copy(typ_hbm.at[pl.ds(base, CHUNK)], typ_v.at[s], isem).wait()
        pltpu.make_async_copy(dst_hbm.at[pl.ds(base, CHUNK)], dst_v.at[s], isem).wait()

        @pl.loop(0, CHUNK // LANES)
        def _(i):
            sl = pl.ds(i * LANES, LANES)
            key_v[s, sl] = typ_v[s, sl] * n_nodes + src_v[s, sl]

    nsplit = 2
    part = CHUNK // nsplit

    def issue_gather(s, h):
        for q in range(nsplit):
            pltpu.async_copy(p_hbm.at[key_v.at[s, pl.ds(q * part, part)]],
                             rows_v.at[h, pl.ds(q * part, part)],
                             gsems[q % 2])

    def wait_gather(s, h):
        for q in range(nsplit):
            pltpu.make_async_copy(p_hbm.at[key_v.at[s, pl.ds(q * part, part)]],
                                  rows_v.at[h, pl.ds(q * part, part)],
                                  gsems[q % 2]).wait()

    def stage(m_t, k):
        hc, hn = k % 2, (k + 1) % 2
        ic, in1, in2 = k % 4, (k + 1) % 4, (k + 2) % 4
        c = sid + m_t * NUM_SUBCORES

        @pl.when(c < n_chunks_per_core)
        def _():
            wait_gather(ic, hc)

        @pl.when((c < n_chunks_per_core) & (m_t >= 1))
        def _():
            pltpu.make_async_copy(rows_v.at[hn],
                                  acc.at[dst_v.at[(k - 1) % 4]], ssem).wait()

        @pl.when(c < n_chunks_per_core)
        def _():
            pltpu.async_copy(rows_v.at[hc], acc.at[dst_v.at[ic]], ssem,
                             add=True)

        @pl.when(c + NUM_SUBCORES < n_chunks_per_core)
        def _():
            wait_idx_compute_key(c + NUM_SUBCORES, in1)
            issue_gather(in1, hn)

        @pl.when(c + 2 * NUM_SUBCORES < n_chunks_per_core)
        def _():
            issue_idx(c + 2 * NUM_SUBCORES, in2)

    issue_idx(sid, 0)
    wait_idx_compute_key(sid, 0)
    issue_gather(0, 0)

    @pl.when(sid + NUM_SUBCORES < n_chunks_per_core)
    def _():
        issue_idx(sid + NUM_SUBCORES, 1)

    @pl.loop(0, zrows)
    def _(zr):
        @pl.loop(0, d // LANES)
        def _(c):
            zero_v[zr, pl.ds(c * LANES, LANES)] = jnp.zeros((LANES,), jnp.float32)

    @pl.loop(0, strip_iters)
    def _(t):
        strip = sid + t * NUM_SUBCORES

        @pl.when(strip < n_strips)
        def _():
            pltpu.sync_copy(zero_v, acc.at[pl.ds(strip * zrows, zrows)])

    plsc.subcore_barrier()

    @pl.loop(0, (max_iters + 3) // 4)
    def _(j):
        for k in range(4):
            stage(4 * j + k, k)

    pltpu.make_async_copy(rows_v.at[0], acc.at[dst_v.at[0]], ssem).wait()

    plsc.subcore_barrier()

    @pl.loop(0, strip_iters)
    def _(t):
        strip = sid + t * NUM_SUBCORES

        @pl.when(strip < n_strips)
        def _():
            r0 = strip * zrows
            pltpu.sync_copy(acc.at[pl.ds(r0, zrows)],
                            out_hbm.at[cid, pl.ds(r0, zrows)])


def kernel(input, edge_index, edge_type, self_loop_W, self_loop_b,
           linear_W, linear_b):
    n, d = input.shape
    e = edge_index.shape[0]
    r = linear_W.shape[0] // d

    wl_t = linear_W.T
    ws_t = self_loop_W.T
    bl = linear_b.reshape(r, d)
    bs = self_loop_b.reshape(1, d)
    src = edge_index[:, 0].astype(jnp.int32)
    dst = edge_index[:, 1].astype(jnp.int32)
    typ = edge_type.astype(jnp.int32)

    row_blk = 2000
    grid = (n // row_blk,)
    p4 = pl.pallas_call(
        _proj_body,
        grid=(r,),
        in_specs=[
            pl.BlockSpec((n, d), lambda rr: (0, 0)),
            pl.BlockSpec((d, d), lambda rr: (0, rr)),
            pl.BlockSpec((r, d), lambda rr: (0, 0)),
        ],
        out_specs=pl.BlockSpec((n, d), lambda rr: (rr, 0)),
        out_shape=jax.ShapeDtypeStruct((n * r, d), jnp.float32),
    )(input, wl_t, bl)

    hidden = pl.pallas_call(
        _hidden_body,
        grid=grid,
        in_specs=[
            pl.BlockSpec((row_blk, d), lambda i: (i, 0)),
            pl.BlockSpec((d, d), lambda i: (0, 0)),
            pl.BlockSpec((1, d), lambda i: (0, 0)),
        ],
        out_specs=pl.BlockSpec((row_blk, d), lambda i: (i, 0)),
        out_shape=jax.ShapeDtypeStruct((n, d), jnp.float32),
    )(input, ws_t, bs)

    n_chunks_per_core = e // (NUM_SC_CORES * CHUNK)
    mesh = plsc.VectorSubcoreMesh(core_axis_name="c", subcore_axis_name="s")
    sc_fn = pl.kernel(
        functools.partial(_sc_body, n, d, r, n_chunks_per_core),
        out_type=jax.ShapeDtypeStruct((NUM_SC_CORES, n, d), jnp.float32),
        mesh=mesh,
        scratch_types=[
            pltpu.VMEM_SHARED((n, d), jnp.float32),
            pltpu.VMEM((4, CHUNK), jnp.int32),
            pltpu.VMEM((4, CHUNK), jnp.int32),
            pltpu.VMEM((4, CHUNK), jnp.int32),
            pltpu.VMEM((4, CHUNK), jnp.int32),
            pltpu.VMEM((2, CHUNK, d), jnp.float32),
            pltpu.VMEM((80, d), jnp.float32),
            pltpu.SemaphoreType.DMA,
            pltpu.SemaphoreType.DMA,
            pltpu.SemaphoreType.DMA,
            pltpu.SemaphoreType.DMA,
        ],
    )
    acc = sc_fn(p4, src, typ, dst)

    out = pl.pallas_call(
        _combine_body,
        grid=grid,
        in_specs=[
            pl.BlockSpec((row_blk, d), lambda i: (i, 0)),
            pl.BlockSpec((NUM_SC_CORES, row_blk, d), lambda i: (0, i, 0)),
        ],
        out_specs=pl.BlockSpec((row_blk, d), lambda i: (i, 0)),
        out_shape=jax.ShapeDtypeStruct((n, d), jnp.float32),
    )(hidden, acc)
    return out

# --- scband reference (transcript-rebuilt; emitter-appended) ---
"""Pipeline reference for scband-geometric-relational-graph-conv-7524782702910 (READ-ONLY COPY).

The authoritative reference and input builder live on the scoring server;
editing this copy changes nothing except your own understanding.
"""

import jax, jax.numpy as jnp
import numpy as np

N = 10000
E = 160000
D = 128
R = 4

def setup_inputs(seed: int = 0) -> dict:
    key = jax.random.key(seed)
    k1, k2, k3, k4, k5, k6, k7 = jax.random.split(key, 7)
    x = jax.random.normal(k1, (N, D), dtype=jnp.float32)
    edge_index = jax.random.randint(k2, (E, 2), 0, N, dtype=jnp.int64 if jax.config.jax_enable_x64 else jnp.int32)
    edge_type = jax.random.randint(k3, (E,), 0, R, dtype=jnp.int64 if jax.config.jax_enable_x64 else jnp.int32)
    s = 1.0 / np.sqrt(D)
    self_loop_W = jax.random.uniform(k4, (D, D), dtype=jnp.float32, minval=-s, maxval=s)
    self_loop_b = jax.random.uniform(k5, (D,), dtype=jnp.float32, minval=-s, maxval=s)
    linear_W = jax.random.uniform(k6, (D * R, D), dtype=jnp.float32, minval=-s, maxval=s)
    linear_b = jax.random.uniform(k7, (D * R,), dtype=jnp.float32, minval=-s, maxval=s)
    return {"input": x, "edge_index": edge_index, "edge_type": edge_type,
            "self_loop_W": self_loop_W, "self_loop_b": self_loop_b,
            "linear_W": linear_W, "linear_b": linear_b}

def reference(input, edge_index, edge_type, self_loop_W, self_loop_b, linear_W, linear_b):
    # hidden = self_loop(input)
    hidden = input @ self_loop_W.T + self_loop_b
    node_in = edge_index[:, 0]
    node_out = edge_index[:, 1]
    # neighbor gather
    neighbor = jnp.take(input, node_in, axis=0)
    # per-relation projection: [E, R, D]
    message = (neighbor @ linear_W.T + linear_b).reshape(-1, R, D)
    # gather the relation-specific message: equivalent of torch.gather along dim=1
    message = message[jnp.arange(message.shape[0]), edge_type]
    # scatter-add into destination nodes with dim_size = N
    agg = jax.ops.segment_sum(message, node_out, num_segments=hidden.shape[0])
    hidden = hidden + agg
    # activation = relu (no batch_norm)
    hidden = jax.nn.relu(hidden)
    return hidden

if __name__ == "__main__":
    import jax
    _d = setup_inputs()
    print(jax.jit(kernel)(*tuple(_d.values())))

</pallas_src>

<mosaic_0001>
#map = affine_map<(d0, d1) -> (0, 0)>
#map1 = affine_map<(d0, d1) -> (0)>
#map2 = affine_map<(d0, d1) -> (0, 0, 0)>
module attributes {stable_mosaic.version = 14 : i64} {
  func.func @_sc_body(%arg0: i32, %arg1: i32, %arg2: memref<40000x128xf32, #tpu.memory_space<hbm>>, %arg3: memref<160000xi32, #tpu.memory_space<hbm>>, %arg4: memref<160000xi32, #tpu.memory_space<hbm>>, %arg5: memref<160000xi32, #tpu.memory_space<hbm>>, %arg6: memref<2x10000x128xf32, #tpu.memory_space<hbm>>, %arg7: memref<10000x128xf32, #tpu.memory_space<vmem_shared>>, %arg8: memref<4x128xi32, #tpu.memory_space<vmem>>, %arg9: memref<4x128xi32, #tpu.memory_space<vmem>>, %arg10: memref<4x128xi32, #tpu.memory_space<vmem>>, %arg11: memref<4x128xi32, #tpu.memory_space<vmem>>, %arg12: memref<2x128x128xf32, #tpu.memory_space<vmem>>, %arg13: memref<80x128xf32, #tpu.memory_space<vmem>>, %arg14: memref<!tpu.dma_semaphore, #tpu.memory_space<semaphore_mem>>, %arg15: memref<!tpu.dma_semaphore, #tpu.memory_space<semaphore_mem>>, %arg16: memref<!tpu.dma_semaphore, #tpu.memory_space<semaphore_mem>>, %arg17: memref<!tpu.dma_semaphore, #tpu.memory_space<semaphore_mem>>) attributes {dimension_semantics = [#tpu.dimension_semantics<core_parallel>, #tpu.dimension_semantics<subcore_parallel>], iteration_bounds = array<i64: 2, 16>, scalar_prefetch = 0 : i64, scratch_operands = 11 : i64, tpu.core_type = #tpu.core_type<sc_vector_subcore>, window_params = [{transform_indices = #map}, {transform_indices = #map1}, {transform_indices = #map1}, {transform_indices = #map1}, {transform_indices = #map2}]} {
    %mul3A = arith.constant 625 : i32
    %mul3A_0 = arith.muli %arg0, %mul3A : i32
    %add3A = arith.addi %mul3A_0, %arg1 : i32
    %mul3A_1 = arith.constant 128 : i32
    %mul3A_2 = arith.muli %add3A, %mul3A_1 : i32
    %dma_start3A = arith.constant 0 : i32
    %dma_start3A_3 = arith.constant 0 : i32
    %dma_start3A_4 = tpu.memref_slice %arg8[%dma_start3A, %dma_start3A_3] : memref<4x128xi32, #tpu.memory_space<vmem>> -> memref<1x128xi32, #tpu.memory_space<vmem>>
    %dma_start3A_5 = tpu.memref_squeeze %dma_start3A_4 : memref<1x128xi32, #tpu.memory_space<vmem>> -> memref<128xi32, #tpu.memory_space<vmem>>
    %dma_start3A_6 = tpu.memref_slice %arg3[%mul3A_2] : memref<160000xi32, #tpu.memory_space<hbm>> -> memref<128xi32, #tpu.memory_space<hbm>>
    %dma_start3A_7 = arith.constant 0 : i32
    %dma_start3A_8 = tpu.memref_slice %arg8[%dma_start3A, %dma_start3A_7] : memref<4x128xi32, #tpu.memory_space<vmem>> -> memref<1x128xi32, #tpu.memory_space<vmem>>
    %dma_start3A_9 = tpu.memref_squeeze %dma_start3A_8 : memref<1x128xi32, #tpu.memory_space<vmem>> -> memref<128xi32, #tpu.memory_space<vmem>>
    %dma_start3A_10 = tpu.memref_slice %arg3[%mul3A_2] : memref<160000xi32, #tpu.memory_space<hbm>> -> memref<128xi32, #tpu.memory_space<hbm>>
    tpu.enqueue_dma source(%dma_start3A_10 : memref<128xi32, #tpu.memory_space<hbm>>) target(%dma_start3A_9 : memref<128xi32, #tpu.memory_space<vmem>>) target_semaphore(%arg16 : memref<!tpu.dma_semaphore, #tpu.memory_space<semaphore_mem>>)
    %dma_start3A_11 = arith.constant 0 : i32
    %dma_start3A_12 = arith.constant 0 : i32
    %dma_start3A_13 = tpu.memref_slice %arg9[%dma_start3A_11, %dma_start3A_12] : memref<4x128xi32, #tpu.memory_space<vmem>> -> memref<1x128xi32, #tpu.memory_space<vmem>>
    %dma_start3A_14 = tpu.memref_squeeze %dma_start3A_13 : memref<1x128xi32, #tpu.memory_space<vmem>> -> memref<128xi32, #tpu.memory_space<vmem>>
    %dma_start3A_15 = tpu.memref_slice %arg4[%mul3A_2] : memref<160000xi32, #tpu.memory_space<hbm>> -> memref<128xi32, #tpu.memory_space<hbm>>
    %dma_start3A_16 = arith.constant 0 : i32
    %dma_start3A_17 = tpu.memref_slice %arg9[%dma_start3A_11, %dma_start3A_16] : memref<4x128xi32, #tpu.memory_space<vmem>> -> memref<1x128xi32, #tpu.memory_space<vmem>>
    %dma_start3A_18 = tpu.memref_squeeze %dma_start3A_17 : memref<1x128xi32, #tpu.memory_space<vmem>> -> memref<128xi32, #tpu.memory_space<vmem>>
    %dma_start3A_19 = tpu.memref_slice %arg4[%mul3A_2] : memref<160000xi32, #tpu.memory_space<hbm>> -> memref<128xi32, #tpu.memory_space<hbm>>
    tpu.enqueue_dma source(%dma_start3A_19 : memref<128xi32, #tpu.memory_space<hbm>>) target(%dma_start3A_18 : memref<128xi32, #tpu.memory_space<vmem>>) target_semaphore(%arg16 : memref<!tpu.dma_semaphore, #tpu.memory_space<semaphore_mem>>)
    %dma_start3A_20 = arith.constant 0 : i32
    %dma_start3A_21 = arith.constant 0 : i32
    %dma_start3A_22 = tpu.memref_slice %arg10[%dma_start3A_20, %dma_start3A_21] : memref<4x128xi32, #tpu.memory_space<vmem>> -> memref<1x128xi32, #tpu.memory_space<vmem>>
    %dma_start3A_23 = tpu.memref_squeeze %dma_start3A_22 : memref<1x128xi32, #tpu.memory_space<vmem>> -> memref<128xi32, #tpu.memory_space<vmem>>
    %dma_start3A_24 = tpu.memref_slice %arg5[%mul3A_2] : memref<160000xi32, #tpu.memory_space<hbm>> -> memref<128xi32, #tpu.memory_space<hbm>>
    %dma_start3A_25 = arith.constant 0 : i32
    %dma_start3A_26 = tpu.memref_slice %arg10[%dma_start3A_20, %dma_start3A_25] : memref<4x128xi32, #tpu.memory_space<vmem>> -> memref<1x128xi32, #tpu.memory_space<vmem>>
    %dma_start3A_27 = tpu.memref_squeeze %dma_start3A_26 : memref<1x128xi32, #tpu.memory_space<vmem>> -> memref<128xi32, #tpu.memory_space<vmem>>
    %dma_start3A_28 = tpu.memref_slice %arg5[%mul3A_2] : memref<160000xi32, #tpu.memory_space<hbm>> -> memref<128xi32, #tpu.memory_space<hbm>>
    tpu.enqueue_dma source(%dma_start3A_28 : memref<128xi32, #tpu.memory_space<hbm>>) target(%dma_start3A_27 : memref<128xi32, #tpu.memory_space<vmem>>) target_semaphore(%arg16 : memref<!tpu.dma_semaphore, #tpu.memory_space<semaphore_mem>>)
    %mul3A_29 = arith.constant 625 : i32
    %mul3A_30 = arith.muli %arg0, %mul3A_29 : i32
    %add3A_31 = arith.addi %mul3A_30, %arg1 : i32
    %mul3A_32 = arith.constant 128 : i32
    %mul3A_33 = arith.muli %add3A_31, %mul3A_32 : i32
    %dma_wait3A = arith.constant 0 : i32
    %dma_wait3A_34 = arith.constant 0 : i32
    %dma_wait3A_35 = tpu.memref_slice %arg8[%dma_wait3A, %dma_wait3A_34] : memref<4x128xi32, #tpu.memory_space<vmem>> -> memref<1x128xi32, #tpu.memory_space<vmem>>
    %dma_wait3A_36 = tpu.memref_squeeze %dma_wait3A_35 : memref<1x128xi32, #tpu.memory_space<vmem>> -> memref<128xi32, #tpu.memory_space<vmem>>
    %dma_wait3A_37 = tpu.memref_slice %arg3[%mul3A_33] : memref<160000xi32, #tpu.memory_space<hbm>> -> memref<128xi32, #tpu.memory_space<hbm>>
    %dma_wait3A_38 = arith.constant 0 : i32
    %dma_wait3A_39 = tpu.memref_slice %arg8[%dma_wait3A, %dma_wait3A_38] : memref<4x128xi32, #tpu.memory_space<vmem>> -> memref<1x128xi32, #tpu.memory_space<vmem>>
    %dma_wait3A_40 = tpu.memref_squeeze %dma_wait3A_39 : memref<1x128xi32, #tpu.memory_space<vmem>> -> memref<128xi32, #tpu.memory_space<vmem>>
    %dma_wait3A_41 = tpu.memref_slice %arg3[%mul3A_33] : memref<160000xi32, #tpu.memory_space<hbm>> -> memref<128xi32, #tpu.memory_space<hbm>>
    tpu.wait_dma2 semaphore(%arg16 : memref<!tpu.dma_semaphore, #tpu.memory_space<semaphore_mem>>) src(%dma_wait3A_41 : memref<128xi32, #tpu.memory_space<hbm>>) dst(%dma_wait3A_40 : memref<128xi32, #tpu.memory_space<vmem>>)
    %dma_wait3A_42 = arith.constant 0 : i32
    %dma_wait3A_43 = arith.constant 0 : i32
    %dma_wait3A_44 = tpu.memref_slice %arg9[%dma_wait3A_42, %dma_wait3A_43] : memref<4x128xi32, #tpu.memory_space<vmem>> -> memref<1x128xi32, #tpu.memory_space<vmem>>
    %dma_wait3A_45 = tpu.memref_squeeze %dma_wait3A_44 : memref<1x128xi32, #tpu.memory_space<vmem>> -> memref<128xi32, #tpu.memory_space<vmem>>
    %dma_wait3A_46 = tpu.memref_slice %arg4[%mul3A_33] : memref<160000xi32, #tpu.memory_space<hbm>> -> memref<128xi32, #tpu.memory_space<hbm>>
    %dma_wait3A_47 = arith.constant 0 : i32
    %dma_wait3A_48 = tpu.memref_slice %arg9[%dma_wait3A_42, %dma_wait3A_47] : memref<4x128xi32, #tpu.memory_space<vmem>> -> memref<1x128xi32, #tpu.memory_space<vmem>>
    %dma_wait3A_49 = tpu.memref_squeeze %dma_wait3A_48 : memref<1x128xi32, #tpu.memory_space<vmem>> -> memref<128xi32, #tpu.memory_space<vmem>>
    %dma_wait3A_50 = tpu.memref_slice %arg4[%mul3A_33] : memref<160000xi32, #tpu.memory_space<hbm>> -> memref<128xi32, #tpu.memory_space<hbm>>
    tpu.wait_dma2 semaphore(%arg16 : memref<!tpu.dma_semaphore, #tpu.memory_space<semaphore_mem>>) src(%dma_wait3A_50 : memref<128xi32, #tpu.memory_space<hbm>>) dst(%dma_wait3A_49 : memref<128xi32, #tpu.memory_space<vmem>>)
    %dma_wait3A_51 = arith.constant 0 : i32
    %dma_wait3A_52 = arith.constant 0 : i32
    %dma_wait3A_53 = tpu.memref_slice %arg10[%dma_wait3A_51, %dma_wait3A_52] : memref<4x128xi32, #tpu.memory_space<vmem>> -> memref<1x128xi32, #tpu.memory_space<vmem>>
    %dma_wait3A_54 = tpu.memref_squeeze %dma_wait3A_53 : memref<1x128xi32, #tpu.memory_space<vmem>> -> memref<128xi32, #tpu.memory_space<vmem>>
    %dma_wait3A_55 = tpu.memref_slice %arg5[%mul3A_33] : memref<160000xi32, #tpu.memory_space<hbm>> -> memref<128xi32, #tpu.memory_space<hbm>>
    %dma_wait3A_56 = arith.constant 0 : i32
    %dma_wait3A_57 = tpu.memref_slice %arg10[%dma_wait3A_51, %dma_wait3A_56] : memref<4x128xi32, #tpu.memory_space<vmem>> -> memref<1x128xi32, #tpu.memory_space<vmem>>
    %dma_wait3A_58 = tpu.memref_squeeze %dma_wait3A_57 : memref<1x128xi32, #tpu.memory_space<vmem>> -> memref<128xi32, #tpu.memory_space<vmem>>
    %dma_wait3A_59 = tpu.memref_slice %arg5[%mul3A_33] : memref<160000xi32, #tpu.memory_space<hbm>> -> memref<128xi32, #tpu.memory_space<hbm>>
    tpu.wait_dma2 semaphore(%arg16 : memref<!tpu.dma_semaphore, #tpu.memory_space<semaphore_mem>>) src(%dma_wait3A_59 : memref<128xi32, #tpu.memory_space<hbm>>) dst(%dma_wait3A_58 : memref<128xi32, #tpu.memory_space<vmem>>)
    %scan3A = arith.constant 0 : i32
    %scan3A_60 = arith.constant 8 : i32
    %scan3A_61 = arith.addi %scan3A, %scan3A_60 : i32
    %scan3A_62 = arith.constant 1 : i32
    scf.for %scan3A_125 = %scan3A to %scan3A_61 step %scan3A_62  : i32 {
      %mul3A_126 = arith.constant 1 : i32
      %mul3A_127 = arith.muli %scan3A_125, %mul3A_126 : i32
      %add3A_128 = arith.constant 0 : i32
      %add3A_129 = arith.addi %add3A_128, %mul3A_127 : i32
      %mul3A_130 = arith.constant 16 : i32
      %mul3A_131 = arith.muli %add3A_129, %mul3A_130 : i32
      %get3A = arith.constant 0 : i32
      %get3A_132 = arith.index_cast %get3A : i32 to index
      %get3A_133 = arith.index_cast %mul3A_131 : i32 to index
      %get3A_134 = tpu.vector_load %arg9[%get3A_132, %get3A_133] {strides = array<i32>} : memref<4x128xi32, #tpu.memory_space<vmem>>, vector<1x16xi32>,
      %get3A_135 = vector.shape_cast %get3A_134 : vector<1x16xi32> to vector<16xi32>
      %mul3A_136 = arith.constant 10000 : i32
      %mul3A_137 = vector.broadcast %mul3A_136 : i32 to vector<16xi32>
      %mul3A_138 = arith.muli %get3A_135, %mul3A_137 : vector<16xi32>
      %get3A_139 = arith.constant 0 : i32
      %get3A_140 = arith.index_cast %get3A_139 : i32 to index
      %get3A_141 = arith.index_cast %mul3A_131 : i32 to index
      %get3A_142 = tpu.vector_load %arg8[%get3A_140, %get3A_141] {strides = array<i32>} : memref<4x128xi32, #tpu.memory_space<vmem>>, vector<1x16xi32>,
      %get3A_143 = vector.shape_cast %get3A_142 : vector<1x16xi32> to vector<16xi32>
      %add3A_144 = arith.addi %mul3A_138, %get3A_143 : vector<16xi32>
      %swap3A = arith.constant 0 : i32
      %swap3A_145 = arith.index_cast %swap3A : i32 to index
      %swap3A_146 = arith.index_cast %mul3A_131 : i32 to index
      %swap3A_147 = tpu.vector_load %arg11[%swap3A_145, %swap3A_146] {strides = array<i32>} : memref<4x128xi32, #tpu.memory_space<vmem>>, vector<1x16xi32>,
      %swap3A_148 = vector.shape_cast %swap3A_147 : vector<1x16xi32> to vector<16xi32>
      %swap3A_149 = vector.shape_cast %add3A_144 : vector<16xi32> to vector<1x16xi32>
      tpu.vector_store %arg11[%swap3A_145, %swap3A_146], %swap3A_149 {strides = array<i32>} : memref<4x128xi32, #tpu.memory_space<vmem>>, vector<1x16xi32>,
    }
    %scan3A_63 = arith.constant 8 : i32
    %dma_start3A_64 = arith.constant 0 : i32
    %dma_start3A_65 = arith.constant 0 : i32
    %dma_start3A_66 = arith.constant 0 : i32
    %dma_start3A_67 = arith.constant 0 : i32
    %dma_start3A_68 = tpu.memref_slice %arg12[%dma_start3A_65, %dma_start3A_66, %dma_start3A_67] : memref<2x128x128xf32, #tpu.memory_space<vmem>> -> memref<1x64x128xf32, #tpu.memory_space<vmem>>
    %dma_start3A_69 = tpu.memref_squeeze %dma_start3A_68 : memref<1x64x128xf32, #tpu.memory_space<vmem>> -> memref<64x128xf32, #tpu.memory_space<vmem>>
    %dma_start3A_70 = arith.constant 0 : i32
    %dma_start3A_71 = tpu.memref_slice %arg11[%dma_start3A_64, %dma_start3A_70] : memref<4x128xi32, #tpu.memory_space<vmem>> -> memref<1x64xi32, #tpu.memory_space<vmem>>
    %dma_start3A_72 = tpu.memref_squeeze %dma_start3A_71 : memref<1x64xi32, #tpu.memory_space<vmem>> -> memref<64xi32, #tpu.memory_space<vmem>>
    %dma_start3A_73 = arith.constant 0 : i32
    %dma_start3A_74 = arith.constant 0 : i32
    %dma_start3A_75 = tpu.memref_slice %arg2[%dma_start3A_73, %dma_start3A_74] : memref<40000x128xf32, #tpu.memory_space<hbm>> -> memref<40000x128xf32, #tpu.memory_space<hbm>>
    tpu.enqueue_indirect_dma source(%dma_start3A_75 : memref<40000x128xf32, #tpu.memory_space<hbm>>) target(%dma_start3A_69 : memref<64x128xf32, #tpu.memory_space<vmem>>) offsets(%dma_start3A_72 : memref<64xi32, #tpu.memory_space<vmem>>) semaphore(%arg14 : memref<!tpu.dma_semaphore, #tpu.memory_space<semaphore_mem>>)
    %dma_start3A_76 = arith.constant 0 : i32
    %dma_start3A_77 = arith.constant 0 : i32
    %dma_start3A_78 = arith.constant 64 : i32
    %dma_start3A_79 = arith.constant 0 : i32
    %dma_start3A_80 = tpu.memref_slice %arg12[%dma_start3A_77, %dma_start3A_78, %dma_start3A_79] : memref<2x128x128xf32, #tpu.memory_space<vmem>> -> memref<1x64x128xf32, #tpu.memory_space<vmem>>
    %dma_start3A_81 = tpu.memref_squeeze %dma_start3A_80 : memref<1x64x128xf32, #tpu.memory_space<vmem>> -> memref<64x128xf32, #tpu.memory_space<vmem>>
    %dma_start3A_82 = arith.constant 64 : i32
    %dma_start3A_83 = tpu.memref_slice %arg11[%dma_start3A_76, %dma_start3A_82] : memref<4x128xi32, #tpu.memory_space<vmem>> -> memref<1x64xi32, #tpu.memory_space<vmem>>
    %dma_start3A_84 = tpu.memref_squeeze %dma_start3A_83 : memref<1x64xi32, #tpu.memory_space<vmem>> -> memref<64xi32, #tpu.memory_space<vmem>>
    %dma_start3A_85 = arith.constant 0 : i32
    %dma_start3A_86 = arith.constant 0 : i32
    %dma_start3A_87 = tpu.memref_slice %arg2[%dma_start3A_85, %dma_start3A_86] : memref<40000x128xf32, #tpu.memory_space<hbm>> -> memref<40000x128xf32, #tpu.memory_space<hbm>>
    tpu.enqueue_indirect_dma source(%dma_start3A_87 : memref<40000x128xf32, #tpu.memory_space<hbm>>) target(%dma_start3A_81 : memref<64x128xf32, #tpu.memory_space<vmem>>) offsets(%dma_start3A_84 : memref<64xi32, #tpu.memory_space<vmem>>) semaphore(%arg15 : memref<!tpu.dma_semaphore, #tpu.memory_space<semaphore_mem>>)
    %add3A_88 = arith.constant 16 : i32
    %add3A_89 = arith.addi %arg1, %add3A_88 : i32
    %lt3A = arith.constant 625 : i32
    %lt3A_90 = arith.cmpi slt, %add3A_89, %lt3A : i32
    %convert_element_type3A = arith.extui %lt3A_90 : i1 to i32
    %cond3A = arith.constant 0 : i32
    %cond3A_91 = arith.cmpi ne, %convert_element_type3A, %cond3A : i32
    scf.if %cond3A_91 {
      %add3A_125 = arith.constant 16 : i32
      %add3A_126 = arith.addi %arg1, %add3A_125 : i32
      %mul3A_127 = arith.constant 625 : i32
      %mul3A_128 = arith.muli %arg0, %mul3A_127 : i32
      %add3A_129 = arith.addi %mul3A_128, %add3A_126 : i32
      %mul3A_130 = arith.constant 128 : i32
      %mul3A_131 = arith.muli %add3A_129, %mul3A_130 : i32
      %dma_start3A_132 = arith.constant 1 : i32
      %dma_start3A_133 = arith.constant 0 : i32
      %dma_start3A_134 = tpu.memref_slice %arg8[%dma_start3A_132, %dma_start3A_133] : memref<4x128xi32, #tpu.memory_space<vmem>> -> memref<1x128xi32, #tpu.memory_space<vmem>>
      %dma_start3A_135 = tpu.memref_squeeze %dma_start3A_134 : memref<1x128xi32, #tpu.memory_space<vmem>> -> memref<128xi32, #tpu.memory_space<vmem>>
      %dma_start3A_136 = tpu.memref_slice %arg3[%mul3A_131] : memref<160000xi32, #tpu.memory_space<hbm>> -> memref<128xi32, #tpu.memory_space<hbm>>
      %dma_start3A_137 = arith.constant 0 : i32
      %dma_start3A_138 = tpu.memref_slice %arg8[%dma_start3A_132, %dma_start3A_137] : memref<4x128xi32, #tpu.memory_space<vmem>> -> memref<1x128xi32, #tpu.memory_space<vmem>>
      %dma_start3A_139 = tpu.memref_squeeze %dma_start3A_138 : memref<1x128xi32, #tpu.memory_space<vmem>> -> memref<128xi32, #tpu.memory_space<vmem>>
      %dma_start3A_140 = tpu.memref_slice %arg3[%mul3A_131] : memref<160000xi32, #tpu.memory_space<hbm>> -> memref<128xi32, #tpu.memory_space<hbm>>
      tpu.enqueue_dma source(%dma_start3A_140 : memref<128xi32, #tpu.memory_space<hbm>>) target(%dma_start3A_139 : memref<128xi32, #tpu.memory_space<vmem>>) target_semaphore(%arg16 : memref<!tpu.dma_semaphore, #tpu.memory_space<semaphore_mem>>)
      %dma_start3A_141 = arith.constant 1 : i32
      %dma_start3A_142 = arith.constant 0 : i32
      %dma_start3A_143 = tpu.memref_slice %arg9[%dma_start3A_141, %dma_start3A_142] : memref<4x128xi32, #tpu.memory_space<vmem>> -> memref<1x128xi32, #tpu.memory_space<vmem>>
      %dma_start3A_144 = tpu.memref_squeeze %dma_start3A_143 : memref<1x128xi32, #tpu.memory_space<vmem>> -> memref<128xi32, #tpu.memory_space<vmem>>
      %dma_start3A_145 = tpu.memref_slice %arg4[%mul3A_131] : memref<160000xi32, #tpu.memory_space<hbm>> -> memref<128xi32, #tpu.memory_space<hbm>>
      %dma_start3A_146 = arith.constant 0 : i32
      %dma_start3A_147 = tpu.memref_slice %arg9[%dma_start3A_141, %dma_start3A_146] : memref<4x128xi32, #tpu.memory_space<vmem>> -> memref<1x128xi32, #tpu.memory_space<vmem>>
      %dma_start3A_148 = tpu.memref_squeeze %dma_start3A_147 : memref<1x128xi32, #tpu.memory_space<vmem>> -> memref<128xi32, #tpu.memory_space<vmem>>
      %dma_start3A_149 = tpu.memref_slice %arg4[%mul3A_131] : memref<160000xi32, #tpu.memory_space<hbm>> -> memref<128xi32, #tpu.memory_space<hbm>>
      tpu.enqueue_dma source(%dma_start3A_149 : memref<128xi32, #tpu.memory_space<hbm>>) target(%dma_start3A_148 : memref<128xi32, #tpu.memory_space<vmem>>) target_semaphore(%arg16 : memref<!tpu.dma_semaphore, #tpu.memory_space<semaphore_mem>>)
      %dma_start3A_150 = arith.constant 1 : i32
      %dma_start3A_151 = arith.constant 0 : i32
      %dma_start3A_152 = tpu.memref_slice %arg10[%dma_start3A_150, %dma_start3A_151] : memref<4x128xi32, #tpu.memory_space<vmem>> -> memref<1x128xi32, #tpu.memory_space<vmem>>
      %dma_start3A_153 = tpu.memref_squeeze %dma_start3A_152 : memref<1x128xi32, #tpu.memory_space<vmem>> -> memref<128xi32, #tpu.memory_space<vmem>>
      %dma_start3A_154 = tpu.memref_slice %arg5[%mul3A_131] : memref<160000xi32, #tpu.memory_space<hbm>> -> memref<128xi32, #tpu.memory_space<hbm>>
      %dma_start3A_155 = arith.constant 0 : i32
      %dma_start3A_156 = tpu.memref_slice %arg10[%dma_start3A_150, %dma_start3A_155] : memref<4x128xi32, #tpu.memory_space<vmem>> -> memref<1x128xi32, #tpu.memory_space<vmem>>
      %dma_start3A_157 = tpu.memref_squeeze %dma_start3A_156 : memref<1x128xi32, #tpu.memory_space<vmem>> -> memref<128xi32, #tpu.memory_space<vmem>>
      %dma_start3A_158 = tpu.memref_slice %arg5[%mul3A_131] : memref<160000xi32, #tpu.memory_space<hbm>> -> memref<128xi32, #tpu.memory_space<hbm>>
      tpu.enqueue_dma source(%dma_start3A_158 : memref<128xi32, #tpu.memory_space<hbm>>) target(%dma_start3A_157 : memref<128xi32, #tpu.memory_space<vmem>>) target_semaphore(%arg16 : memref<!tpu.dma_semaphore, #tpu.memory_space<semaphore_mem>>)
    } else {
    }
    %scan3A_92 = arith.constant 0 : i32
    %scan3A_93 = arith.constant 80 : i32
    %scan3A_94 = arith.addi %scan3A_92, %scan3A_93 : i32
    %scan3A_95 = arith.constant 1 : i32
    scf.for %scan3A_125 = %scan3A_92 to %scan3A_94 step %scan3A_95  : i32 {
      %mul3A_126 = arith.constant 1 : i32
      %mul3A_127 = arith.muli %scan3A_125, %mul3A_126 : i32
      %add3A_128 = arith.constant 0 : i32
      %add3A_129 = arith.addi %add3A_128, %mul3A_127 : i32
      %scan3A_130 = arith.constant 0 : i32
      %scan3A_131 = arith.constant 8 : i32
      %scan3A_132 = arith.addi %scan3A_130, %scan3A_131 : i32
      %scan3A_133 = arith.constant 1 : i32
      scf.for %scan3A_135 = %scan3A_130 to %scan3A_132 step %scan3A_133  : i32 {
        %mul3A_136 = arith.constant 1 : i32
        %mul3A_137 = arith.muli %scan3A_135, %mul3A_136 : i32
        %add3A_138 = arith.constant 0 : i32
        %add3A_139 = arith.addi %add3A_138, %mul3A_137 : i32
        %broadcast_in_dim3A = arith.constant 0.000000e+00 : f32
        %broadcast_in_dim3A_140 = vector.broadcast %broadcast_in_dim3A : f32 to vector<16xf32>
        %mul3A_141 = arith.constant 16 : i32
        %mul3A_142 = arith.muli %add3A_139, %mul3A_141 : i32
        %swap3A = arith.index_cast %add3A_129 : i32 to index
        %swap3A_143 = arith.index_cast %mul3A_142 : i32 to index
        %swap3A_144 = tpu.vector_load %arg13[%swap3A, %swap3A_143] {strides = array<i32>} : memref<80x128xf32, #tpu.memory_space<vmem>>, vector<1x16xf32>,
        %swap3A_145 = vector.shape_cast %swap3A_144 : vector<1x16xf32> to vector<16xf32>
        %swap3A_146 = vector.shape_cast %broadcast_in_dim3A_140 : vector<16xf32> to vector<1x16xf32>
        tpu.vector_store %arg13[%swap3A, %swap3A_143], %swap3A_146 {strides = array<i32>} : memref<80x128xf32, #tpu.memory_space<vmem>>, vector<1x16xf32>,
      }
      %scan3A_134 = arith.constant 8 : i32
    }
    %scan3A_96 = arith.constant 80 : i32
    %scan3A_97 = arith.constant 0 : i32
    %scan3A_98 = arith.constant 8 : i32
    %scan3A_99 = arith.addi %scan3A_97, %scan3A_98 : i32
    %scan3A_100 = arith.constant 1 : i32
    scf.for %scan3A_125 = %scan3A_97 to %scan3A_99 step %scan3A_100  : i32 {
      %mul3A_126 = arith.constant 1 : i32
      %mul3A_127 = arith.muli %scan3A_125, %mul3A_126 : i32
      %add3A_128 = arith.constant 0 : i32
      %add3A_129 = arith.addi %add3A_128, %mul3A_127 : i32
      %mul3A_130 = arith.constant 16 : i32
      %mul3A_131 = arith.muli %add3A_129, %mul3A_130 : i32
      %add3A_132 = arith.addi %arg1, %mul3A_131 : i32
      %lt3A_133 = arith.constant 125 : i32
      %lt3A_134 = arith.cmpi slt, %add3A_132, %lt3A_133 : i32
      %convert_element_type3A_135 = arith.extui %lt3A_134 : i1 to i32
      %cond3A_136 = arith.constant 0 : i32
      %cond3A_137 = arith.cmpi ne, %convert_element_type3A_135, %cond3A_136 : i32
      scf.if %cond3A_137 {
        %mul3A_138 = arith.constant 80 : i32
        %mul3A_139 = arith.muli %add3A_132, %mul3A_138 : i32
        "tpu.region"() ({
          %run_scoped3A = tpu.sem_alloc : memref<!tpu.dma_semaphore, #tpu.memory_space<semaphore_mem>>
          %dma_start3A_140 = arith.constant 0 : i32
          %dma_start3A_141 = tpu.memref_slice %arg7[%mul3A_139, %dma_start3A_140] : memref<10000x128xf32, #tpu.memory_space<vmem_shared>> -> memref<80x128xf32, #tpu.memory_space<vmem_shared>>
          %dma_start3A_142 = arith.constant 0 : i32
          %dma_start3A_143 = tpu.memref_slice %arg7[%mul3A_139, %dma_start3A_142] : memref<10000x128xf32, #tpu.memory_space<vmem_shared>> -> memref<80x128xf32, #tpu.memory_space<vmem_shared>>
          tpu.enqueue_dma source(%arg13 : memref<80x128xf32, #tpu.memory_space<vmem>>) target(%dma_start3A_143 : memref<80x128xf32, #tpu.memory_space<vmem_shared>>) target_semaphore(%run_scoped3A : memref<!tpu.dma_semaphore, #tpu.memory_space<semaphore_mem>>)
          %dma_wait3A_144 = arith.constant 0 : i32
          %dma_wait3A_145 = tpu.memref_slice %arg7[%mul3A_139, %dma_wait3A_144] : memref<10000x128xf32, #tpu.memory_space<vmem_shared>> -> memref<80x128xf32, #tpu.memory_space<vmem_shared>>
          %dma_wait3A_146 = arith.constant 0 : i32
          %dma_wait3A_147 = tpu.memref_slice %arg7[%mul3A_139, %dma_wait3A_146] : memref<10000x128xf32, #tpu.memory_space<vmem_shared>> -> memref<80x128xf32, #tpu.memory_space<vmem_shared>>
          tpu.wait_dma2 semaphore(%run_scoped3A : memref<!tpu.dma_semaphore, #tpu.memory_space<semaphore_mem>>) src(%arg13 : memref<80x128xf32, #tpu.memory_space<vmem>>) dst(%dma_wait3A_147 : memref<80x128xf32, #tpu.memory_space<vmem_shared>>)
          tpu.yield
        }) : () -> ()
      } else {
      }
    }
    %scan3A_101 = arith.constant 8 : i32
    %barrier3A = arith.constant 0 : index
    tpu.barrier barrier_id(%barrier3A)
    %scan3A_102 = arith.constant 0 : i32
    %scan3A_103 = arith.constant 10 : i32
    %scan3A_104 = arith.addi %scan3A_102, %scan3A_103 : i32
    %scan3A_105 = arith.constant 1 : i32
    scf.for %scan3A_125 = %scan3A_102 to %scan3A_104 step %scan3A_105  : i32 {
      %mul3A_126 = arith.constant 1 : i32
      %mul3A_127 = arith.muli %scan3A_125, %mul3A_126 : i32
      %add3A_128 = arith.constant 0 : i32
      %add3A_129 = arith.addi %add3A_128, %mul3A_127 : i32
      %mul3A_130 = arith.constant 4 : i32
      %mul3A_131 = arith.muli %mul3A_130, %add3A_129 : i32
      %add3A_132 = arith.constant 0 : i32
      %add3A_133 = arith.addi %mul3A_131, %add3A_132 : i32
      %mul3A_134 = arith.constant 16 : i32
      %mul3A_135 = arith.muli %add3A_133, %mul3A_134 : i32
      %add3A_136 = arith.addi %arg1, %mul3A_135 : i32
      %lt3A_137 = arith.constant 625 : i32
      %lt3A_138 = arith.cmpi slt, %add3A_136, %lt3A_137 : i32
      %convert_element_type3A_139 = arith.extui %lt3A_138 : i1 to i32
      %cond3A_140 = arith.constant 0 : i32
      %cond3A_141 = arith.cmpi ne, %convert_element_type3A_139, %cond3A_140 : i32
      scf.if %cond3A_141 {
        %dma_wait3A_284 = arith.constant 0 : i32
        %dma_wait3A_285 = arith.constant 0 : i32
        %dma_wait3A_286 = arith.constant 0 : i32
        %dma_wait3A_287 = arith.constant 0 : i32
        %dma_wait3A_288 = tpu.memref_slice %arg12[%dma_wait3A_285, %dma_wait3A_286, %dma_wait3A_287] : memref<2x128x128xf32, #tpu.memory_space<vmem>> -> memref<1x64x128xf32, #tpu.memory_space<vmem>>
        %dma_wait3A_289 = tpu.memref_squeeze %dma_wait3A_288 : memref<1x64x128xf32, #tpu.memory_space<vmem>> -> memref<64x128xf32, #tpu.memory_space<vmem>>
        %dma_wait3A_290 = arith.constant 0 : i32
        %dma_wait3A_291 = tpu.memref_slice %arg11[%dma_wait3A_284, %dma_wait3A_290] : memref<4x128xi32, #tpu.memory_space<vmem>> -> memref<1x64xi32, #tpu.memory_space<vmem>>
        %dma_wait3A_292 = tpu.memref_squeeze %dma_wait3A_291 : memref<1x64xi32, #tpu.memory_space<vmem>> -> memref<64xi32, #tpu.memory_space<vmem>>
        %dma_wait3A_293 = arith.constant 0 : i32
        %dma_wait3A_294 = arith.constant 0 : i32
        %dma_wait3A_295 = tpu.memref_slice %arg2[%dma_wait3A_293, %dma_wait3A_294] : memref<40000x128xf32, #tpu.memory_space<hbm>> -> memref<40000x128xf32, #tpu.memory_space<hbm>>
        tpu.wait_indirect_dma semaphore(%arg14 : memref<!tpu.dma_semaphore, #tpu.memory_space<semaphore_mem>>) src(%dma_wait3A_295 : memref<40000x128xf32, #tpu.memory_space<hbm>>) dst(%dma_wait3A_289 : memref<64x128xf32, #tpu.memory_space<vmem>>)
        %dma_wait3A_296 = arith.constant 0 : i32
        %dma_wait3A_297 = arith.constant 0 : i32
        %dma_wait3A_298 = arith.constant 64 : i32
        %dma_wait3A_299 = arith.constant 0 : i32
        %dma_wait3A_300 = tpu.memref_slice %arg12[%dma_wait3A_297, %dma_wait3A_298, %dma_wait3A_299] : memref<2x128x128xf32, #tpu.memory_space<vmem>> -> memref<1x64x128xf32, #tpu.memory_space<vmem>>
        %dma_wait3A_301 = tpu.memref_squeeze %dma_wait3A_300 : memref<1x64x128xf32, #tpu.memory_space<vmem>> -> memref<64x128xf32, #tpu.memory_space<vmem>>
        %dma_wait3A_302 = arith.constant 64 : i32
        %dma_wait3A_303 = tpu.memref_slice %arg11[%dma_wait3A_296, %dma_wait3A_302] : memref<4x128xi32, #tpu.memory_space<vmem>> -> memref<1x64xi32, #tpu.memory_space<vmem>>
        %dma_wait3A_304 = tpu.memref_squeeze %dma_wait3A_303 : memref<1x64xi32, #tpu.memory_space<vmem>> -> memref<64xi32, #tpu.memory_space<vmem>>
        %dma_wait3A_305 = arith.constant 0 : i32
        %dma_wait3A_306 = arith.constant 0 : i32
        %dma_wait3A_307 = tpu.memref_slice %arg2[%dma_wait3A_305, %dma_wait3A_306] : memref<40000x128xf32, #tpu.memory_space<hbm>> -> memref<40000x128xf32, #tpu.memory_space<hbm>>
        tpu.wait_indirect_dma semaphore(%arg15 : memref<!tpu.dma_semaphore, #tpu.memory_space<semaphore_mem>>) src(%dma_wait3A_307 : memref<40000x128xf32, #tpu.memory_space<hbm>>) dst(%dma_wait3A_301 : memref<64x128xf32, #tpu.memory_space<vmem>>)
      } else {
      }
      %lt3A_142 = arith.constant 625 : i32
      %lt3A_143 = arith.cmpi slt, %add3A_136, %lt3A_142 : i32
      %ge3A = arith.constant 1 : i32
      %ge3A_144 = arith.cmpi sge, %add3A_133, %ge3A : i32
      %and3A = arith.andi %lt3A_143, %ge3A_144 : i1
      %convert_element_type3A_145 = arith.extui %and3A : i1 to i32
      %cond3A_146 = arith.constant 0 : i32
      %cond3A_147 = arith.cmpi ne, %convert_element_type3A_145, %cond3A_146 : i32
      scf.if %cond3A_147 {
        %dma_wait3A_284 = arith.constant 1 : i32
        %dma_wait3A_285 = arith.constant 3 : i32
        %dma_wait3A_286 = arith.constant 0 : i32
        %dma_wait3A_287 = arith.constant 0 : i32
        %dma_wait3A_288 = tpu.memref_slice %arg12[%dma_wait3A_284, %dma_wait3A_286, %dma_wait3A_287] : memref<2x128x128xf32, #tpu.memory_space<vmem>> -> memref<1x128x128xf32, #tpu.memory_space<vmem>>
        %dma_wait3A_289 = tpu.memref_squeeze %dma_wait3A_288 : memref<1x128x128xf32, #tpu.memory_space<vmem>> -> memref<128x128xf32, #tpu.memory_space<vmem>>
        %dma_wait3A_290 = arith.constant 0 : i32
        %dma_wait3A_291 = tpu.memref_slice %arg10[%dma_wait3A_285, %dma_wait3A_290] : memref<4x128xi32, #tpu.memory_space<vmem>> -> memref<1x128xi32, #tpu.memory_space<vmem>>
        %dma_wait3A_292 = tpu.memref_squeeze %dma_wait3A_291 : memref<1x128xi32, #tpu.memory_space<vmem>> -> memref<128xi32, #tpu.memory_space<vmem>>
        %dma_wait3A_293 = arith.constant 0 : i32
        %dma_wait3A_294 = arith.constant 0 : i32
        %dma_wait3A_295 = tpu.memref_slice %arg7[%dma_wait3A_293, %dma_wait3A_294] : memref<10000x128xf32, #tpu.memory_space<vmem_shared>> -> memref<10000x128xf32, #tpu.memory_space<vmem_shared>>
        tpu.wait_indirect_dma semaphore(%arg17 : memref<!tpu.dma_semaphore, #tpu.memory_space<semaphore_mem>>) src(%dma_wait3A_289 : memref<128x128xf32, #tpu.memory_space<vmem>>) dst(%dma_wait3A_295 : memref<10000x128xf32, #tpu.memory_space<vmem_shared>>)
      } else {
      }
      %lt3A_148 = arith.constant 625 : i32
      %lt3A_149 = arith.cmpi slt, %add3A_136, %lt3A_148 : i32
      %convert_element_type3A_150 = arith.extui %lt3A_149 : i1 to i32
      %cond3A_151 = arith.constant 0 : i32
      %cond3A_152 = arith.cmpi ne, %convert_element_type3A_150, %cond3A_151 : i32
      scf.if %cond3A_152 {
        %dma_start3A_284 = arith.constant 0 : i32
        %dma_start3A_285 = arith.constant 0 : i32
        %dma_start3A_286 = arith.constant 0 : i32
        %dma_start3A_287 = arith.constant 0 : i32
        %dma_start3A_288 = tpu.memref_slice %arg12[%dma_start3A_284, %dma_start3A_286, %dma_start3A_287] : memref<2x128x128xf32, #tpu.memory_space<vmem>> -> memref<1x128x128xf32, #tpu.memory_space<vmem>>
        %dma_start3A_289 = tpu.memref_squeeze %dma_start3A_288 : memref<1x128x128xf32, #tpu.memory_space<vmem>> -> memref<128x128xf32, #tpu.memory_space<vmem>>
        %dma_start3A_290 = arith.constant 0 : i32
        %dma_start3A_291 = tpu.memref_slice %arg10[%dma_start3A_285, %dma_start3A_290] : memref<4x128xi32, #tpu.memory_space<vmem>> -> memref<1x128xi32, #tpu.memory_space<vmem>>
        %dma_start3A_292 = tpu.memref_squeeze %dma_start3A_291 : memref<1x128xi32, #tpu.memory_space<vmem>> -> memref<128xi32, #tpu.memory_space<vmem>>
        %dma_start3A_293 = arith.constant 0 : i32
        %dma_start3A_294 = arith.constant 0 : i32
        %dma_start3A_295 = tpu.memref_slice %arg7[%dma_start3A_293, %dma_start3A_294] : memref<10000x128xf32, #tpu.memory_space<vmem_shared>> -> memref<10000x128xf32, #tpu.memory_space<vmem_shared>>
        tpu.enqueue_indirect_dma source(%dma_start3A_289 : memref<128x128xf32, #tpu.memory_space<vmem>>) target(%dma_start3A_295 : memref<10000x128xf32, #tpu.memory_space<vmem_shared>>) offsets(%dma_start3A_292 : memref<128xi32, #tpu.memory_space<vmem>>) semaphore(%arg17 : memref<!tpu.dma_semaphore, #tpu.memory_space<semaphore_mem>>) {add = true}
      } else {
      }
      %add3A_153 = arith.constant 16 : i32
      %add3A_154 = arith.addi %add3A_136, %add3A_153 : i32
      %lt3A_155 = arith.constant 625 : i32
      %lt3A_156 = arith.cmpi slt, %add3A_154, %lt3A_155 : i32
      %convert_element_type3A_157 = arith.extui %lt3A_156 : i1 to i32
      %cond3A_158 = arith.constant 0 : i32
      %cond3A_159 = arith.cmpi ne, %convert_element_type3A_157, %cond3A_158 : i32
      scf.if %cond3A_159 {
        %add3A_284 = arith.constant 16 : i32
        %add3A_285 = arith.addi %add3A_136, %add3A_284 : i32
        %mul3A_286 = arith.constant 625 : i32
        %mul3A_287 = arith.muli %arg0, %mul3A_286 : i32
        %add3A_288 = arith.addi %mul3A_287, %add3A_285 : i32
        %mul3A_289 = arith.constant 128 : i32
        %mul3A_290 = arith.muli %add3A_288, %mul3A_289 : i32
        %dma_wait3A_291 = arith.constant 1 : i32
        %dma_wait3A_292 = arith.constant 0 : i32
        %dma_wait3A_293 = tpu.memref_slice %arg8[%dma_wait3A_291, %dma_wait3A_292] : memref<4x128xi32, #tpu.memory_space<vmem>> -> memref<1x128xi32, #tpu.memory_space<vmem>>
        %dma_wait3A_294 = tpu.memref_squeeze %dma_wait3A_293 : memref<1x128xi32, #tpu.memory_space<vmem>> -> memref<128xi32, #tpu.memory_space<vmem>>
        %dma_wait3A_295 = tpu.memref_slice %arg3[%mul3A_290] : memref<160000xi32, #tpu.memory_space<hbm>> -> memref<128xi32, #tpu.memory_space<hbm>>
        %dma_wait3A_296 = arith.constant 0 : i32
        %dma_wait3A_297 = tpu.memref_slice %arg8[%dma_wait3A_291, %dma_wait3A_296] : memref<4x128xi32, #tpu.memory_space<vmem>> -> memref<1x128xi32, #tpu.memory_space<vmem>>
        %dma_wait3A_298 = tpu.memref_squeeze %dma_wait3A_297 : memref<1x128xi32, #tpu.memory_space<vmem>> -> memref<128xi32, #tpu.memory_space<vmem>>
        %dma_wait3A_299 = tpu.memref_slice %arg3[%mul3A_290] : memref<160000xi32, #tpu.memory_space<hbm>> -> memref<128xi32, #tpu.memory_space<hbm>>
        tpu.wait_dma2 semaphore(%arg16 : memref<!tpu.dma_semaphore, #tpu.memory_space<semaphore_mem>>) src(%dma_wait3A_299 : memref<128xi32, #tpu.memory_space<hbm>>) dst(%dma_wait3A_298 : memref<128xi32, #tpu.memory_space<vmem>>)
        %dma_wait3A_300 = arith.constant 1 : i32
        %dma_wait3A_301 = arith.constant 0 : i32
        %dma_wait3A_302 = tpu.memref_slice %arg9[%dma_wait3A_300, %dma_wait3A_301] : memref<4x128xi32, #tpu.memory_space<vmem>> -> memref<1x128xi32, #tpu.memory_space<vmem>>
        %dma_wait3A_303 = tpu.memref_squeeze %dma_wait3A_302 : memref<1x128xi32, #tpu.memory_space<vmem>> -> memref<128xi32, #tpu.memory_space<vmem>>
        %dma_wait3A_304 = tpu.memref_slice %arg4[%mul3A_290] : memref<160000xi32, #tpu.memory_space<hbm>> -> memref<128xi32, #tpu.memory_space<hbm>>
        %dma_wait3A_305 = arith.constant 0 : i32
        %dma_wait3A_306 = tpu.memref_slice %arg9[%dma_wait3A_300, %dma_wait3A_305] : memref<4x128xi32, #tpu.memory_space<vmem>> -> memref<1x128xi32, #tpu.memory_space<vmem>>
        %dma_wait3A_307 = tpu.memref_squeeze %dma_wait3A_306 : memref<1x128xi32, #tpu.memory_space<vmem>> -> memref<128xi32, #tpu.memory_space<vmem>>
        %dma_wait3A_308 = tpu.memref_slice %arg4[%mul3A_290] : memref<160000xi32, #tpu.memory_space<hbm>> -> memref<128xi32, #tpu.memory_space<hbm>>
        tpu.wait_dma2 semaphore(%arg16 : memref<!tpu.dma_semaphore, #tpu.memory_space<semaphore_mem>>) src(%dma_wait3A_308 : memref<128xi32, #tpu.memory_space<hbm>>) dst(%dma_wait3A_307 : memref<128xi32, #tpu.memory_space<vmem>>)
        %dma_wait3A_309 = arith.constant 1 : i32
        %dma_wait3A_310 = arith.constant 0 : i32
        %dma_wait3A_311 = tpu.memref_slice %arg10[%dma_wait3A_309, %dma_wait3A_310] : memref<4x128xi32, #tpu.memory_space<vmem>> -> memref<1x128xi32, #tpu.memory_space<vmem>>
        %dma_wait3A_312 = tpu.memref_squeeze %dma_wait3A_311 : memref<1x128xi32, #tpu.memory_space<vmem>> -> memref<128xi32, #tpu.memory_space<vmem>>
        %dma_wait3A_313 = tpu.memref_slice %arg5[%mul3A_290] : memref<160000xi32, #tpu.memory_space<hbm>> -> memref<128xi32, #tpu.memory_space<hbm>>
        %dma_wait3A_314 = arith.constant 0 : i32
        %dma_wait3A_315 = tpu.memref_slice %arg10[%dma_wait3A_309, %dma_wait3A_314] : memref<4x128xi32, #tpu.memory_space<vmem>> -> memref<1x128xi32, #tpu.memory_space<vmem>>
        %dma_wait3A_316 = tpu.memref_squeeze %dma_wait3A_315 : memref<1x128xi32, #tpu.memory_space<vmem>> -> memref<128xi32, #tpu.memory_space<vmem>>
        %dma_wait3A_317 = tpu.memref_slice %arg5[%mul3A_290] : memref<160000xi32, #tpu.memory_space<hbm>> -> memref<128xi32, #tpu.memory_space<hbm>>
        tpu.wait_dma2 semaphore(%arg16 : memref<!tpu.dma_semaphore, #tpu.memory_space<semaphore_mem>>) src(%dma_wait3A_317 : memref<128xi32, #tpu.memory_space<hbm>>) dst(%dma_wait3A_316 : memref<128xi32, #tpu.memory_space<vmem>>)
        %scan3A_318 = arith.constant 0 : i32
        %scan3A_319 = arith.constant 8 : i32
        %scan3A_320 = arith.addi %scan3A_318, %scan3A_319 : i32
        %scan3A_321 = arith.constant 1 : i32
        scf.for %scan3A_347 = %scan3A_318 to %scan3A_320 step %scan3A_321  : i32 {
          %mul3A_348 = arith.constant 1 : i32
          %mul3A_349 = arith.muli %scan3A_347, %mul3A_348 : i32
          %add3A_350 = arith.constant 0 : i32
          %add3A_351 = arith.addi %add3A_350, %mul3A_349 : i32
          %mul3A_352 = arith.constant 16 : i32
          %mul3A_353 = arith.muli %add3A_351, %mul3A_352 : i32
          %get3A = arith.constant 1 : i32
          %get3A_354 = arith.index_cast %get3A : i32 to index
          %get3A_355 = arith.index_cast %mul3A_353 : i32 to index
          %get3A_356 = tpu.vector_load %arg9[%get3A_354, %get3A_355] {strides = array<i32>} : memref<4x128xi32, #tpu.memory_space<vmem>>, vector<1x16xi32>,
          %get3A_357 = vector.shape_cast %get3A_356 : vector<1x16xi32> to vector<16xi32>
          %mul3A_358 = arith.constant 10000 : i32
          %mul3A_359 = vector.broadcast %mul3A_358 : i32 to vector<16xi32>
          %mul3A_360 = arith.muli %get3A_357, %mul3A_359 : vector<16xi32>
          %get3A_361 = arith.constant 1 : i32
          %get3A_362 = arith.index_cast %get3A_361 : i32 to index
          %get3A_363 = arith.index_cast %mul3A_353 : i32 to index
          %get3A_364 = tpu.vector_load %arg8[%get3A_362, %get3A_363] {strides = array<i32>} : memref<4x128xi32, #tpu.memory_space<vmem>>, vector<1x16xi32>,
          %get3A_365 = vector.shape_cast %get3A_364 : vector<1x16xi32> to vector<16xi32>
          %add3A_366 = arith.addi %mul3A_360, %get3A_365 : vector<16xi32>
          %swap3A = arith.constant 1 : i32
          %swap3A_367 = arith.index_cast %swap3A : i32 to index
          %swap3A_368 = arith.index_cast %mul3A_353 : i32 to index
          %swap3A_369 = tpu.vector_load %arg11[%swap3A_367, %swap3A_368] {strides = array<i32>} : memref<4x128xi32, #tpu.memory_space<vmem>>, vector<1x16xi32>,
          %swap3A_370 = vector.shape_cast %swap3A_369 : vector<1x16xi32> to vector<16xi32>
          %swap3A_371 = vector.shape_cast %add3A_366 : vector<16xi32> to vector<1x16xi32>
          tpu.vector_store %arg11[%swap3A_367, %swap3A_368], %swap3A_371 {strides = array<i32>} : memref<4x128xi32, #tpu.memory_space<vmem>>, vector<1x16xi32>,
        }
        %scan3A_322 = arith.constant 8 : i32
        %dma_start3A_323 = arith.constant 1 : i32
        %dma_start3A_324 = arith.constant 1 : i32
        %dma_start3A_325 = arith.constant 0 : i32
        %dma_start3A_326 = arith.constant 0 : i32
        %dma_start3A_327 = tpu.memref_slice %arg12[%dma_start3A_324, %dma_start3A_325, %dma_start3A_326] : memref<2x128x128xf32, #tpu.memory_space<vmem>> -> memref<1x64x128xf32, #tpu.memory_space<vmem>>
        %dma_start3A_328 = tpu.memref_squeeze %dma_start3A_327 : memref<1x64x128xf32, #tpu.memory_space<vmem>> -> memref<64x128xf32, #tpu.memory_space<vmem>>
        %dma_start3A_329 = arith.constant 0 : i32
        %dma_start3A_330 = tpu.memref_slice %arg11[%dma_start3A_323, %dma_start3A_329] : memref<4x128xi32, #tpu.memory_space<vmem>> -> memref<1x64xi32, #tpu.memory_space<vmem>>
        %dma_start3A_331 = tpu.memref_squeeze %dma_start3A_330 : memref<1x64xi32, #tpu.memory_space<vmem>> -> memref<64xi32, #tpu.memory_space<vmem>>
        %dma_start3A_332 = arith.constant 0 : i32
        %dma_start3A_333 = arith.constant 0 : i32
        %dma_start3A_334 = tpu.memref_slice %arg2[%dma_start3A_332, %dma_start3A_333] : memref<40000x128xf32, #tpu.memory_space<hbm>> -> memref<40000x128xf32, #tpu.memory_space<hbm>>
        tpu.enqueue_indirect_dma source(%dma_start3A_334 : memref<40000x128xf32, #tpu.memory_space<hbm>>) target(%dma_start3A_328 : memref<64x128xf32, #tpu.memory_space<vmem>>) offsets(%dma_start3A_331 : memref<64xi32, #tpu.memory_space<vmem>>) semaphore(%arg14 : memref<!tpu.dma_semaphore, #tpu.memory_space<semaphore_mem>>)
        %dma_start3A_335 = arith.constant 1 : i32
        %dma_start3A_336 = arith.constant 1 : i32
        %dma_start3A_337 = arith.constant 64 : i32
        %dma_start3A_338 = arith.constant 0 : i32
        %dma_start3A_339 = tpu.memref_slice %arg12[%dma_start3A_336, %dma_start3A_337, %dma_start3A_338] : memref<2x128x128xf32, #tpu.memory_space<vmem>> -> memref<1x64x128xf32, #tpu.memory_space<vmem>>
        %dma_start3A_340 = tpu.memref_squeeze %dma_start3A_339 : memref<1x64x128xf32, #tpu.memory_space<vmem>> -> memref<64x128xf32, #tpu.memory_space<vmem>>
        %dma_start3A_341 = arith.constant 64 : i32
        %dma_start3A_342 = tpu.memref_slice %arg11[%dma_start3A_335, %dma_start3A_341] : memref<4x128xi32, #tpu.memory_space<vmem>> -> memref<1x64xi32, #tpu.memory_space<vmem>>
        %dma_start3A_343 = tpu.memref_squeeze %dma_start3A_342 : memref<1x64xi32, #tpu.memory_space<vmem>> -> memref<64xi32, #tpu.memory_space<vmem>>
        %dma_start3A_344 = arith.constant 0 : i32
        %dma_start3A_345 = arith.constant 0 : i32
        %dma_start3A_346 = tpu.memref_slice %arg2[%dma_start3A_344, %dma_start3A_345] : memref<40000x128xf32, #tpu.memory_space<hbm>> -> memref<40000x128xf32, #tpu.memory_space<hbm>>
        tpu.enqueue_indirect_dma source(%dma_start3A_346 : memref<40000x128xf32, #tpu.memory_space<hbm>>) target(%dma_start3A_340 : memref<64x128xf32, #tpu.memory_space<vmem>>) offsets(%dma_start3A_343 : memref<64xi32, #tpu.memory_space<vmem>>) semaphore(%arg15 : memref<!tpu.dma_semaphore, #tpu.memory_space<semaphore_mem>>)
      } else {
      }
      %add3A_160 = arith.constant 32 : i32
      %add3A_161 = arith.addi %add3A_136, %add3A_160 : i32
      %lt3A_162 = arith.constant 625 : i32
      %lt3A_163 = arith.cmpi slt, %add3A_161, %lt3A_162 : i32
      %convert_element_type3A_164 = arith.extui %lt3A_163 : i1 to i32
      %cond3A_165 = arith.constant 0 : i32
      %cond3A_166 = arith.cmpi ne, %convert_element_type3A_164, %cond3A_165 : i32
      scf.if %cond3A_166 {
        %add3A_284 = arith.constant 32 : i32
        %add3A_285 = arith.addi %add3A_136, %add3A_284 : i32
        %mul3A_286 = arith.constant 625 : i32
        %mul3A_287 = arith.muli %arg0, %mul3A_286 : i32
        %add3A_288 = arith.addi %mul3A_287, %add3A_285 : i32
        %mul3A_289 = arith.constant 128 : i32
        %mul3A_290 = arith.muli %add3A_288, %mul3A_289 : i32
        %dma_start3A_291 = arith.constant 2 : i32
        %dma_start3A_292 = arith.constant 0 : i32
        %dma_start3A_293 = tpu.memref_slice %arg8[%dma_start3A_291, %dma_start3A_292] : memref<4x128xi32, #tpu.memory_space<vmem>> -> memref<1x128xi32, #tpu.memory_space<vmem>>
        %dma_start3A_294 = tpu.memref_squeeze %dma_start3A_293 : memref<1x128xi32, #tpu.memory_space<vmem>> -> memref<128xi32, #tpu.memory_space<vmem>>
        %dma_start3A_295 = tpu.memref_slice %arg3[%mul3A_290] : memref<160000xi32, #tpu.memory_space<hbm>> -> memref<128xi32, #tpu.memory_space<hbm>>
        %dma_start3A_296 = arith.constant 0 : i32
        %dma_start3A_297 = tpu.memref_slice %arg8[%dma_start3A_291, %dma_start3A_296] : memref<4x128xi32, #tpu.memory_space<vmem>> -> memref<1x128xi32, #tpu.memory_space<vmem>>
        %dma_start3A_298 = tpu.memref_squeeze %dma_start3A_297 : memref<1x128xi32, #tpu.memory_space<vmem>> -> memref<128xi32, #tpu.memory_space<vmem>>
        %dma_start3A_299 = tpu.memref_slice %arg3[%mul3A_290] : memref<160000xi32, #tpu.memory_space<hbm>> -> memref<128xi32, #tpu.memory_space<hbm>>
        tpu.enqueue_dma source(%dma_start3A_299 : memref<128xi32, #tpu.memory_space<hbm>>) target(%dma_start3A_298 : memref<128xi32, #tpu.memory_space<vmem>>) target_semaphore(%arg16 : memref<!tpu.dma_semaphore, #tpu.memory_space<semaphore_mem>>)
        %dma_start3A_300 = arith.constant 2 : i32
        %dma_start3A_301 = arith.constant 0 : i32
        %dma_start3A_302 = tpu.memref_slice %arg9[%dma_start3A_300, %dma_start3A_301] : memref<4x128xi32, #tpu.memory_space<vmem>> -> memref<1x128xi32, #tpu.memory_space<vmem>>
        %dma_start3A_303 = tpu.memref_squeeze %dma_start3A_302 : memref<1x128xi32, #tpu.memory_space<vmem>> -> memref<128xi32, #tpu.memory_space<vmem>>
        %dma_start3A_304 = tpu.memref_slice %arg4[%mul3A_290] : memref<160000xi32, #tpu.memory_space<hbm>> -> memref<128xi32, #tpu.memory_space<hbm>>
        %dma_start3A_305 = arith.constant 0 : i32
        %dma_start3A_306 = tpu.memref_slice %arg9[%dma_start3A_300, %dma_start3A_305] : memref<4x128xi32, #tpu.memory_space<vmem>> -> memref<1x128xi32, #tpu.memory_space<vmem>>
        %dma_start3A_307 = tpu.memref_squeeze %dma_start3A_306 : memref<1x128xi32, #tpu.memory_space<vmem>> -> memref<128xi32, #tpu.memory_space<vmem>>
        %dma_start3A_308 = tpu.memref_slice %arg4[%mul3A_290] : memref<160000xi32, #tpu.memory_space<hbm>> -> memref<128xi32, #tpu.memory_space<hbm>>
        tpu.enqueue_dma source(%dma_start3A_308 : memref<128xi32, #tpu.memory_space<hbm>>) target(%dma_start3A_307 : memref<128xi32, #tpu.memory_space<vmem>>) target_semaphore(%arg16 : memref<!tpu.dma_semaphore, #tpu.memory_space<semaphore_mem>>)
        %dma_start3A_309 = arith.constant 2 : i32
        %dma_start3A_310 = arith.constant 0 : i32
        %dma_start3A_311 = tpu.memref_slice %arg10[%dma_start3A_309, %dma_start3A_310] : memref<4x128xi32, #tpu.memory_space<vmem>> -> memref<1x128xi32, #tpu.memory_space<vmem>>
        %dma_start3A_312 = tpu.memref_squeeze %dma_start3A_311 : memref<1x128xi32, #tpu.memory_space<vmem>> -> memref<128xi32, #tpu.memory_space<vmem>>
        %dma_start3A_313 = tpu.memref_slice %arg5[%mul3A_290] : memref<160000xi32, #tpu.memory_space<hbm>> -> memref<128xi32, #tpu.memory_space<hbm>>
        %dma_start3A_314 = arith.constant 0 : i32
        %dma_start3A_315 = tpu.memref_slice %arg10[%dma_start3A_309, %dma_start3A_314] : memref<4x128xi32, #tpu.memory_space<vmem>> -> memref<1x128xi32, #tpu.memory_space<vmem>>
        %dma_start3A_316 = tpu.memref_squeeze %dma_start3A_315 : memref<1x128xi32, #tpu.memory_space<vmem>> -> memref<128xi32, #tpu.memory_space<vmem>>
        %dma_start3A_317 = tpu.memref_slice %arg5[%mul3A_290] : memref<160000xi32, #tpu.memory_space<hbm>> -> memref<128xi32, #tpu.memory_space<hbm>>
        tpu.enqueue_dma source(%dma_start3A_317 : memref<128xi32, #tpu.memory_space<hbm>>) target(%dma_start3A_316 : memref<128xi32, #tpu.memory_space<vmem>>) target_semaphore(%arg16 : memref<!tpu.dma_semaphore, #tpu.memory_space<semaphore_mem>>)
      } else {
      }
      %mul3A_167 = arith.constant 4 : i32
      %mul3A_168 = arith.muli %mul3A_167, %add3A_129 : i32
      %add3A_169 = arith.constant 1 : i32
      %add3A_170 = arith.addi %mul3A_168, %add3A_169 : i32
      %mul3A_171 = arith.constant 16 : i32
      %mul3A_172 = arith.muli %add3A_170, %mul3A_171 : i32
      %add3A_173 = arith.addi %arg1, %mul3A_172 : i32
      %lt3A_174 = arith.constant 625 : i32
      %lt3A_175 = arith.cmpi slt, %add3A_173, %lt3A_174 : i32
      %convert_element_type3A_176 = arith.extui %lt3A_175 : i1 to i32
      %cond3A_177 = arith.constant 0 : i32
      %cond3A_178 = arith.cmpi ne, %convert_element_type3A_176, %cond3A_177 : i32
      scf.if %cond3A_178 {
        %dma_wait3A_284 = arith.constant 1 : i32
        %dma_wait3A_285 = arith.constant 1 : i32
        %dma_wait3A_286 = arith.constant 0 : i32
        %dma_wait3A_287 = arith.constant 0 : i32
        %dma_wait3A_288 = tpu.memref_slice %arg12[%dma_wait3A_285, %dma_wait3A_286, %dma_wait3A_287] : memref<2x128x128xf32, #tpu.memory_space<vmem>> -> memref<1x64x128xf32, #tpu.memory_space<vmem>>
        %dma_wait3A_289 = tpu.memref_squeeze %dma_wait3A_288 : memref<1x64x128xf32, #tpu.memory_space<vmem>> -> memref<64x128xf32, #tpu.memory_space<vmem>>
        %dma_wait3A_290 = arith.constant 0 : i32
        %dma_wait3A_291 = tpu.memref_slice %arg11[%dma_wait3A_284, %dma_wait3A_290] : memref<4x128xi32, #tpu.memory_space<vmem>> -> memref<1x64xi32, #tpu.memory_space<vmem>>
        %dma_wait3A_292 = tpu.memref_squeeze %dma_wait3A_291 : memref<1x64xi32, #tpu.memory_space<vmem>> -> memref<64xi32, #tpu.memory_space<vmem>>
        %dma_wait3A_293 = arith.constant 0 : i32
        %dma_wait3A_294 = arith.constant 0 : i32
        %dma_wait3A_295 = tpu.memref_slice %arg2[%dma_wait3A_293, %dma_wait3A_294] : memref<40000x128xf32, #tpu.memory_space<hbm>> -> memref<40000x128xf32, #tpu.memory_space<hbm>>
        tpu.wait_indirect_dma semaphore(%arg14 : memref<!tpu.dma_semaphore, #tpu.memory_space<semaphore_mem>>) src(%dma_wait3A_295 : memref<40000x128xf32, #tpu.memory_space<hbm>>) dst(%dma_wait3A_289 : memref<64x128xf32, #tpu.memory_space<vmem>>)
        %dma_wait3A_296 = arith.constant 1 : i32
        %dma_wait3A_297 = arith.constant 1 : i32
        %dma_wait3A_298 = arith.constant 64 : i32
        %dma_wait3A_299 = arith.constant 0 : i32
        %dma_wait3A_300 = tpu.memref_slice %arg12[%dma_wait3A_297, %dma_wait3A_298, %dma_wait3A_299] : memref<2x128x128xf32, #tpu.memory_space<vmem>> -> memref<1x64x128xf32, #tpu.memory_space<vmem>>
        %dma_wait3A_301 = tpu.memref_squeeze %dma_wait3A_300 : memref<1x64x128xf32, #tpu.memory_space<vmem>> -> memref<64x128xf32, #tpu.memory_space<vmem>>
        %dma_wait3A_302 = arith.constant 64 : i32
        %dma_wait3A_303 = tpu.memref_slice %arg11[%dma_wait3A_296, %dma_wait3A_302] : memref<4x128xi32, #tpu.memory_space<vmem>> -> memref<1x64xi32, #tpu.memory_space<vmem>>
        %dma_wait3A_304 = tpu.memref_squeeze %dma_wait3A_303 : memref<1x64xi32, #tpu.memory_space<vmem>> -> memref<64xi32, #tpu.memory_space<vmem>>
        %dma_wait3A_305 = arith.constant 0 : i32
        %dma_wait3A_306 = arith.constant 0 : i32
        %dma_wait3A_307 = tpu.memref_slice %arg2[%dma_wait3A_305, %dma_wait3A_306] : memref<40000x128xf32, #tpu.memory_space<hbm>> -> memref<40000x128xf32, #tpu.memory_space<hbm>>
        tpu.wait_indirect_dma semaphore(%arg15 : memref<!tpu.dma_semaphore, #tpu.memory_space<semaphore_mem>>) src(%dma_wait3A_307 : memref<40000x128xf32, #tpu.memory_space<hbm>>) dst(%dma_wait3A_301 : memref<64x128xf32, #tpu.memory_space<vmem>>)
      } else {
      }
      %lt3A_179 = arith.constant 625 : i32
      %lt3A_180 = arith.cmpi slt, %add3A_173, %lt3A_179 : i32
      %ge3A_181 = arith.constant 1 : i32
      %ge3A_182 = arith.cmpi sge, %add3A_170, %ge3A_181 : i32
      %and3A_183 = arith.andi %lt3A_180, %ge3A_182 : i1
      %convert_element_type3A_184 = arith.extui %and3A_183 : i1 to i32
      %cond3A_185 = arith.constant 0 : i32
      %cond3A_186 = arith.cmpi ne, %convert_element_type3A_184, %cond3A_185 : i32
      scf.if %cond3A_186 {
        %dma_wait3A_284 = arith.constant 0 : i32
        %dma_wait3A_285 = arith.constant 0 : i32
        %dma_wait3A_286 = arith.constant 0 : i32
        %dma_wait3A_287 = arith.constant 0 : i32
        %dma_wait3A_288 = tpu.memref_slice %arg12[%dma_wait3A_284, %dma_wait3A_286, %dma_wait3A_287] : memref<2x128x128xf32, #tpu.memory_space<vmem>> -> memref<1x128x128xf32, #tpu.memory_space<vmem>>
        %dma_wait3A_289 = tpu.memref_squeeze %dma_wait3A_288 : memref<1x128x128xf32, #tpu.memory_space<vmem>> -> memref<128x128xf32, #tpu.memory_space<vmem>>
        %dma_wait3A_290 = arith.constant 0 : i32
        %dma_wait3A_291 = tpu.memref_slice %arg10[%dma_wait3A_285, %dma_wait3A_290] : memref<4x128xi32, #tpu.memory_space<vmem>> -> memref<1x128xi32, #tpu.memory_space<vmem>>
        %dma_wait3A_292 = tpu.memref_squeeze %dma_wait3A_291 : memref<1x128xi32, #tpu.memory_space<vmem>> -> memref<128xi32, #tpu.memory_space<vmem>>
        %dma_wait3A_293 = arith.constant 0 : i32
        %dma_wait3A_294 = arith.constant 0 : i32
        %dma_wait3A_295 = tpu.memref_slice %arg7[%dma_wait3A_293, %dma_wait3A_294] : memref<10000x128xf32, #tpu.memory_space<vmem_shared>> -> memref<10000x128xf32, #tpu.memory_space<vmem_shared>>
        tpu.wait_indirect_dma semaphore(%arg17 : memref<!tpu.dma_semaphore, #tpu.memory_space<semaphore_mem>>) src(%dma_wait3A_289 : memref<128x128xf32, #tpu.memory_space<vmem>>) dst(%dma_wait3A_295 : memref<10000x128xf32, #tpu.memory_space<vmem_shared>>)
      } else {
      }
      %lt3A_187 = arith.constant 625 : i32
      %lt3A_188 = arith.cmpi slt, %add3A_173, %lt3A_187 : i32
      %convert_element_type3A_189 = arith.extui %lt3A_188 : i1 to i32
      %cond3A_190 = arith.constant 0 : i32
      %cond3A_191 = arith.cmpi ne, %convert_element_type3A_189, %cond3A_190 : i32
      scf.if %cond3A_191 {
        %dma_start3A_284 = arith.constant 1 : i32
        %dma_start3A_285 = arith.constant 1 : i32
        %dma_start3A_286 = arith.constant 0 : i32
        %dma_start3A_287 = arith.constant 0 : i32
        %dma_start3A_288 = tpu.memref_slice %arg12[%dma_start3A_284, %dma_start3A_286, %dma_start3A_287] : memref<2x128x128xf32, #tpu.memory_space<vmem>> -> memref<1x128x128xf32, #tpu.memory_space<vmem>>
        %dma_start3A_289 = tpu.memref_squeeze %dma_start3A_288 : memref<1x128x128xf32, #tpu.memory_space<vmem>> -> memref<128x128xf32, #tpu.memory_space<vmem>>
        %dma_start3A_290 = arith.constant 0 : i32
        %dma_start3A_291 = tpu.memref_slice %arg10[%dma_start3A_285, %dma_start3A_290] : memref<4x128xi32, #tpu.memory_space<vmem>> -> memref<1x128xi32, #tpu.memory_space<vmem>>
        %dma_start3A_292 = tpu.memref_squeeze %dma_start3A_291 : memref<1x128xi32, #tpu.memory_space<vmem>> -> memref<128xi32, #tpu.memory_space<vmem>>
        %dma_start3A_293 = arith.constant 0 : i32
        %dma_start3A_294 = arith.constant 0 : i32
        %dma_start3A_295 = tpu.memref_slice %arg7[%dma_start3A_293, %dma_start3A_294] : memref<10000x128xf32, #tpu.memory_space<vmem_shared>> -> memref<10000x128xf32, #tpu.memory_space<vmem_shared>>
        tpu.enqueue_indirect_dma source(%dma_start3A_289 : memref<128x128xf32, #tpu.memory_space<vmem>>) target(%dma_start3A_295 : memref<10000x128xf32, #tpu.memory_space<vmem_shared>>) offsets(%dma_start3A_292 : memref<128xi32, #tpu.memory_space<vmem>>) semaphore(%arg17 : memref<!tpu.dma_semaphore, #tpu.memory_space<semaphore_mem>>) {add = true}
      } else {
      }
      %add3A_192 = arith.constant 16 : i32
      %add3A_193 = arith.addi %add3A_173, %add3A_192 : i32
      %lt3A_194 = arith.constant 625 : i32
      %lt3A_195 = arith.cmpi slt, %add3A_193, %lt3A_194 : i32
      %convert_element_type3A_196 = arith.extui %lt3A_195 : i1 to i32
      %cond3A_197 = arith.constant 0 : i32
      %cond3A_198 = arith.cmpi ne, %convert_element_type3A_196, %cond3A_197 : i32
      scf.if %cond3A_198 {
        %add3A_284 = arith.constant 16 : i32
        %add3A_285 = arith.addi %add3A_173, %add3A_284 : i32
        %mul3A_286 = arith.constant 625 : i32
        %mul3A_287 = arith.muli %arg0, %mul3A_286 : i32
        %add3A_288 = arith.addi %mul3A_287, %add3A_285 : i32
        %mul3A_289 = arith.constant 128 : i32
        %mul3A_290 = arith.muli %add3A_288, %mul3A_289 : i32
        %dma_wait3A_291 = arith.constant 2 : i32
        %dma_wait3A_292 = arith.constant 0 : i32
        %dma_wait3A_293 = tpu.memref_slice %arg8[%dma_wait3A_291, %dma_wait3A_292] : memref<4x128xi32, #tpu.memory_space<vmem>> -> memref<1x128xi32, #tpu.memory_space<vmem>>
        %dma_wait3A_294 = tpu.memref_squeeze %dma_wait3A_293 : memref<1x128xi32, #tpu.memory_space<vmem>> -> memref<128xi32, #tpu.memory_space<vmem>>
        %dma_wait3A_295 = tpu.memref_slice %arg3[%mul3A_290] : memref<160000xi32, #tpu.memory_space<hbm>> -> memref<128xi32, #tpu.memory_space<hbm>>
        %dma_wait3A_296 = arith.constant 0 : i32
        %dma_wait3A_297 = tpu.memref_slice %arg8[%dma_wait3A_291, %dma_wait3A_296] : memref<4x128xi32, #tpu.memory_space<vmem>> -> memref<1x128xi32, #tpu.memory_space<vmem>>
        %dma_wait3A_298 = tpu.memref_squeeze %dma_wait3A_297 : memref<1x128xi32, #tpu.memory_space<vmem>> -> memref<128xi32, #tpu.memory_space<vmem>>
        %dma_wait3A_299 = tpu.memref_slice %arg3[%mul3A_290] : memref<160000xi32, #tpu.memory_space<hbm>> -> memref<128xi32, #tpu.memory_space<hbm>>
        tpu.wait_dma2 semaphore(%arg16 : memref<!tpu.dma_semaphore, #tpu.memory_space<semaphore_mem>>) src(%dma_wait3A_299 : memref<128xi32, #tpu.memory_space<hbm>>) dst(%dma_wait3A_298 : memref<128xi32, #tpu.memory_space<vmem>>)
        %dma_wait3A_300 = arith.constant 2 : i32
        %dma_wait3A_301 = arith.constant 0 : i32
        %dma_wait3A_302 = tpu.memref_slice %arg9[%dma_wait3A_300, %dma_wait3A_301] : memref<4x128xi32, #tpu.memory_space<vmem>> -> memref<1x128xi32, #tpu.memory_space<vmem>>
        %dma_wait3A_303 = tpu.memref_squeeze %dma_wait3A_302 : memref<1x128xi32, #tpu.memory_space<vmem>> -> memref<128xi32, #tpu.memory_space<vmem>>
        %dma_wait3A_304 = tpu.memref_slice %arg4[%mul3A_290] : memref<160000xi32, #tpu.memory_space<hbm>> -> memref<128xi32, #tpu.memory_space<hbm>>
        %dma_wait3A_305 = arith.constant 0 : i32
        %dma_wait3A_306 = tpu.memref_slice %arg9[%dma_wait3A_300, %dma_wait3A_305] : memref<4x128xi32, #tpu.memory_space<vmem>> -> memref<1x128xi32, #tpu.memory_space<vmem>>
        %dma_wait3A_307 = tpu.memref_squeeze %dma_wait3A_306 : memref<1x128xi32, #tpu.memory_space<vmem>> -> memref<128xi32, #tpu.memory_space<vmem>>
        %dma_wait3A_308 = tpu.memref_slice %arg4[%mul3A_290] : memref<160000xi32, #tpu.memory_space<hbm>> -> memref<128xi32, #tpu.memory_space<hbm>>
        tpu.wait_dma2 semaphore(%arg16 : memref<!tpu.dma_semaphore, #tpu.memory_space<semaphore_mem>>) src(%dma_wait3A_308 : memref<128xi32, #tpu.memory_space<hbm>>) dst(%dma_wait3A_307 : memref<128xi32, #tpu.memory_space<vmem>>)
        %dma_wait3A_309 = arith.constant 2 : i32
        %dma_wait3A_310 = arith.constant 0 : i32
        %dma_wait3A_311 = tpu.memref_slice %arg10[%dma_wait3A_309, %dma_wait3A_310] : memref<4x128xi32, #tpu.memory_space<vmem>> -> memref<1x128xi32, #tpu.memory_space<vmem>>
        %dma_wait3A_312 = tpu.memref_squeeze %dma_wait3A_311 : memref<1x128xi32, #tpu.memory_space<vmem>> -> memref<128xi32, #tpu.memory_space<vmem>>
        %dma_wait3A_313 = tpu.memref_slice %arg5[%mul3A_290] : memref<160000xi32, #tpu.memory_space<hbm>> -> memref<128xi32, #tpu.memory_space<hbm>>
        %dma_wait3A_314 = arith.constant 0 : i32
        %dma_wait3A_315 = tpu.memref_slice %arg10[%dma_wait3A_309, %dma_wait3A_314] : memref<4x128xi32, #tpu.memory_space<vmem>> -> memref<1x128xi32, #tpu.memory_space<vmem>>
        %dma_wait3A_316 = tpu.memref_squeeze %dma_wait3A_315 : memref<1x128xi32, #tpu.memory_space<vmem>> -> memref<128xi32, #tpu.memory_space<vmem>>
        %dma_wait3A_317 = tpu.memref_slice %arg5[%mul3A_290] : memref<160000xi32, #tpu.memory_space<hbm>> -> memref<128xi32, #tpu.memory_space<hbm>>
        tpu.wait_dma2 semaphore(%arg16 : memref<!tpu.dma_semaphore, #tpu.memory_space<semaphore_mem>>) src(%dma_wait3A_317 : memref<128xi32, #tpu.memory_space<hbm>>) dst(%dma_wait3A_316 : memref<128xi32, #tpu.memory_space<vmem>>)
        %scan3A_318 = arith.constant 0 : i32
        %scan3A_319 = arith.constant 8 : i32
        %scan3A_320 = arith.addi %scan3A_318, %scan3A_319 : i32
        %scan3A_321 = arith.constant 1 : i32
        scf.for %scan3A_347 = %scan3A_318 to %scan3A_320 step %scan3A_321  : i32 {
          %mul3A_348 = arith.constant 1 : i32
          %mul3A_349 = arith.muli %scan3A_347, %mul3A_348 : i32
          %add3A_350 = arith.constant 0 : i32
          %add3A_351 = arith.addi %add3A_350, %mul3A_349 : i32
          %mul3A_352 = arith.constant 16 : i32
          %mul3A_353 = arith.muli %add3A_351, %mul3A_352 : i32
          %get3A = arith.constant 2 : i32
          %get3A_354 = arith.index_cast %get3A : i32 to index
          %get3A_355 = arith.index_cast %mul3A_353 : i32 to index
          %get3A_356 = tpu.vector_load %arg9[%get3A_354, %get3A_355] {strides = array<i32>} : memref<4x128xi32, #tpu.memory_space<vmem>>, vector<1x16xi32>,
          %get3A_357 = vector.shape_cast %get3A_356 : vector<1x16xi32> to vector<16xi32>
          %mul3A_358 = arith.constant 10000 : i32
          %mul3A_359 = vector.broadcast %mul3A_358 : i32 to vector<16xi32>
          %mul3A_360 = arith.muli %get3A_357, %mul3A_359 : vector<16xi32>
          %get3A_361 = arith.constant 2 : i32
          %get3A_362 = arith.index_cast %get3A_361 : i32 to index
          %get3A_363 = arith.index_cast %mul3A_353 : i32 to index
          %get3A_364 = tpu.vector_load %arg8[%get3A_362, %get3A_363] {strides = array<i32>} : memref<4x128xi32, #tpu.memory_space<vmem>>, vector<1x16xi32>,
          %get3A_365 = vector.shape_cast %get3A_364 : vector<1x16xi32> to vector<16xi32>
          %add3A_366 = arith.addi %mul3A_360, %get3A_365 : vector<16xi32>
          %swap3A = arith.constant 2 : i32
          %swap3A_367 = arith.index_cast %swap3A : i32 to index
          %swap3A_368 = arith.index_cast %mul3A_353 : i32 to index
          %swap3A_369 = tpu.vector_load %arg11[%swap3A_367, %swap3A_368] {strides = array<i32>} : memref<4x128xi32, #tpu.memory_space<vmem>>, vector<1x16xi32>,
          %swap3A_370 = vector.shape_cast %swap3A_369 : vector<1x16xi32> to vector<16xi32>
          %swap3A_371 = vector.shape_cast %add3A_366 : vector<16xi32> to vector<1x16xi32>
          tpu.vector_store %arg11[%swap3A_367, %swap3A_368], %swap3A_371 {strides = array<i32>} : memref<4x128xi32, #tpu.memory_space<vmem>>, vector<1x16xi32>,
        }
        %scan3A_322 = arith.constant 8 : i32
        %dma_start3A_323 = arith.constant 2 : i32
        %dma_start3A_324 = arith.constant 0 : i32
        %dma_start3A_325 = arith.constant 0 : i32
        %dma_start3A_326 = arith.constant 0 : i32
        %dma_start3A_327 = tpu.memref_slice %arg12[%dma_start3A_324, %dma_start3A_325, %dma_start3A_326] : memref<2x128x128xf32, #tpu.memory_space<vmem>> -> memref<1x64x128xf32, #tpu.memory_space<vmem>>
        %dma_start3A_328 = tpu.memref_squeeze %dma_start3A_327 : memref<1x64x128xf32, #tpu.memory_space<vmem>> -> memref<64x128xf32, #tpu.memory_space<vmem>>
        %dma_start3A_329 = arith.constant 0 : i32
        %dma_start3A_330 = tpu.memref_slice %arg11[%dma_start3A_323, %dma_start3A_329] : memref<4x128xi32, #tpu.memory_space<vmem>> -> memref<1x64xi32, #tpu.memory_space<vmem>>
        %dma_start3A_331 = tpu.memref_squeeze %dma_start3A_330 : memref<1x64xi32, #tpu.memory_space<vmem>> -> memref<64xi32, #tpu.memory_space<vmem>>
        %dma_start3A_332 = arith.constant 0 : i32
        %dma_start3A_333 = arith.constant 0 : i32
        %dma_start3A_334 = tpu.memref_slice %arg2[%dma_start3A_332, %dma_start3A_333] : memref<40000x128xf32, #tpu.memory_space<hbm>> -> memref<40000x128xf32, #tpu.memory_space<hbm>>
        tpu.enqueue_indirect_dma source(%dma_start3A_334 : memref<40000x128xf32, #tpu.memory_space<hbm>>) target(%dma_start3A_328 : memref<64x128xf32, #tpu.memory_space<vmem>>) offsets(%dma_start3A_331 : memref<64xi32, #tpu.memory_space<vmem>>) semaphore(%arg14 : memref<!tpu.dma_semaphore, #tpu.memory_space<semaphore_mem>>)
        %dma_start3A_335 = arith.constant 2 : i32
        %dma_start3A_336 = arith.constant 0 : i32
        %dma_start3A_337 = arith.constant 64 : i32
        %dma_start3A_338 = arith.constant 0 : i32
        %dma_start3A_339 = tpu.memref_slice %arg12[%dma_start3A_336, %dma_start3A_337, %dma_start3A_338] : memref<2x128x128xf32, #tpu.memory_space<vmem>> -> memref<1x64x128xf32, #tpu.memory_space<vmem>>
        %dma_start3A_340 = tpu.memref_squeeze %dma_start3A_339 : memref<1x64x128xf32, #tpu.memory_space<vmem>> -> memref<64x128xf32, #tpu.memory_space<vmem>>
        %dma_start3A_341 = arith.constant 64 : i32
        %dma_start3A_342 = tpu.memref_slice %arg11[%dma_start3A_335, %dma_start3A_341] : memref<4x128xi32, #tpu.memory_space<vmem>> -> memref<1x64xi32, #tpu.memory_space<vmem>>
        %dma_start3A_343 = tpu.memref_squeeze %dma_start3A_342 : memref<1x64xi32, #tpu.memory_space<vmem>> -> memref<64xi32, #tpu.memory_space<vmem>>
        %dma_start3A_344 = arith.constant 0 : i32
        %dma_start3A_345 = arith.constant 0 : i32
        %dma_start3A_346 = tpu.memref_slice %arg2[%dma_start3A_344, %dma_start3A_345] : memref<40000x128xf32, #tpu.memory_space<hbm>> -> memref<40000x128xf32, #tpu.memory_space<hbm>>
        tpu.enqueue_indirect_dma source(%dma_start3A_346 : memref<40000x128xf32, #tpu.memory_space<hbm>>) target(%dma_start3A_340 : memref<64x128xf32, #tpu.memory_space<vmem>>) offsets(%dma_start3A_343 : memref<64xi32, #tpu.memory_space<vmem>>) semaphore(%arg15 : memref<!tpu.dma_semaphore, #tpu.memory_space<semaphore_mem>>)
      } else {
      }
      %add3A_199 = arith.constant 32 : i32
      %add3A_200 = arith.addi %add3A_173, %add3A_199 : i32
      %lt3A_201 = arith.constant 625 : i32
      %lt3A_202 = arith.cmpi slt, %add3A_200, %lt3A_201 : i32
      %convert_element_type3A_203 = arith.extui %lt3A_202 : i1 to i32
      %cond3A_204 = arith.constant 0 : i32
      %cond3A_205 = arith.cmpi ne, %convert_element_type3A_203, %cond3A_204 : i32
      scf.if %cond3A_205 {
        %add3A_284 = arith.constant 32 : i32
        %add3A_285 = arith.addi %add3A_173, %add3A_284 : i32
        %mul3A_286 = arith.constant 625 : i32
        %mul3A_287 = arith.muli %arg0, %mul3A_286 : i32
        %add3A_288 = arith.addi %mul3A_287, %add3A_285 : i32
        %mul3A_289 = arith.constant 128 : i32
        %mul3A_290 = arith.muli %add3A_288, %mul3A_289 : i32
        %dma_start3A_291 = arith.constant 3 : i32
        %dma_start3A_292 = arith.constant 0 : i32
        %dma_start3A_293 = tpu.memref_slice %arg8[%dma_start3A_291, %dma_start3A_292] : memref<4x128xi32, #tpu.memory_space<vmem>> -> memref<1x128xi32, #tpu.memory_space<vmem>>
        %dma_start3A_294 = tpu.memref_squeeze %dma_start3A_293 : memref<1x128xi32, #tpu.memory_space<vmem>> -> memref<128xi32, #tpu.memory_space<vmem>>
        %dma_start3A_295 = tpu.memref_slice %arg3[%mul3A_290] : memref<160000xi32, #tpu.memory_space<hbm>> -> memref<128xi32, #tpu.memory_space<hbm>>
        %dma_start3A_296 = arith.constant 0 : i32
        %dma_start3A_297 = tpu.memref_slice %arg8[%dma_start3A_291, %dma_start3A_296] : memref<4x128xi32, #tpu.memory_space<vmem>> -> memref<1x128xi32, #tpu.memory_space<vmem>>
        %dma_start3A_298 = tpu.memref_squeeze %dma_start3A_297 : memref<1x128xi32, #tpu.memory_space<vmem>> -> memref<128xi32, #tpu.memory_space<vmem>>
        %dma_start3A_299 = tpu.memref_slice %arg3[%mul3A_290] : memref<160000xi32, #tpu.memory_space<hbm>> -> memref<128xi32, #tpu.memory_space<hbm>>
        tpu.enqueue_dma source(%dma_start3A_299 : memref<128xi32, #tpu.memory_space<hbm>>) target(%dma_start3A_298 : memref<128xi32, #tpu.memory_space<vmem>>) target_semaphore(%arg16 : memref<!tpu.dma_semaphore, #tpu.memory_space<semaphore_mem>>)
        %dma_start3A_300 = arith.constant 3 : i32
        %dma_start3A_301 = arith.constant 0 : i32
        %dma_start3A_302 = tpu.memref_slice %arg9[%dma_start3A_300, %dma_start3A_301] : memref<4x128xi32, #tpu.memory_space<vmem>> -> memref<1x128xi32, #tpu.memory_space<vmem>>
        %dma_start3A_303 = tpu.memref_squeeze %dma_start3A_302 : memref<1x128xi32, #tpu.memory_space<vmem>> -> memref<128xi32, #tpu.memory_space<vmem>>
        %dma_start3A_304 = tpu.memref_slice %arg4[%mul3A_290] : memref<160000xi32, #tpu.memory_space<hbm>> -> memref<128xi32, #tpu.memory_space<hbm>>
        %dma_start3A_305 = arith.constant 0 : i32
        %dma_start3A_306 = tpu.memref_slice %arg9[%dma_start3A_300, %dma_start3A_305] : memref<4x128xi32, #tpu.memory_space<vmem>> -> memref<1x128xi32, #tpu.memory_space<vmem>>
        %dma_start3A_307 = tpu.memref_squeeze %dma_start3A_306 : memref<1x128xi32, #tpu.memory_space<vmem>> -> memref<128xi32, #tpu.memory_space<vmem>>
        %dma_start3A_308 = tpu.memref_slice %arg4[%mul3A_290] : memref<160000xi32, #tpu.memory_space<hbm>> -> memref<128xi32, #tpu.memory_space<hbm>>
        tpu.enqueue_dma source(%dma_start3A_308 : memref<128xi32, #tpu.memory_space<hbm>>) target(%dma_start3A_307 : memref<128xi32, #tpu.memory_space<vmem>>) target_semaphore(%arg16 : memref<!tpu.dma_semaphore, #tpu.memory_space<semaphore_mem>>)
        %dma_start3A_309 = arith.constant 3 : i32
        %dma_start3A_310 = arith.constant 0 : i32
        %dma_start3A_311 = tpu.memref_slice %arg10[%dma_start3A_309, %dma_start3A_310] : memref<4x128xi32, #tpu.memory_space<vmem>> -> memref<1x128xi32, #tpu.memory_space<vmem>>
        %dma_start3A_312 = tpu.memref_squeeze %dma_start3A_311 : memref<1x128xi32, #tpu.memory_space<vmem>> -> memref<128xi32, #tpu.memory_space<vmem>>
        %dma_start3A_313 = tpu.memref_slice %arg5[%mul3A_290] : memref<160000xi32, #tpu.memory_space<hbm>> -> memref<128xi32, #tpu.memory_space<hbm>>
        %dma_start3A_314 = arith.constant 0 : i32
        %dma_start3A_315 = tpu.memref_slice %arg10[%dma_start3A_309, %dma_start3A_314] : memref<4x128xi32, #tpu.memory_space<vmem>> -> memref<1x128xi32, #tpu.memory_space<vmem>>
        %dma_start3A_316 = tpu.memref_squeeze %dma_start3A_315 : memref<1x128xi32, #tpu.memory_space<vmem>> -> memref<128xi32, #tpu.memory_space<vmem>>
        %dma_start3A_317 = tpu.memref_slice %arg5[%mul3A_290] : memref<160000xi32, #tpu.memory_space<hbm>> -> memref<128xi32, #tpu.memory_space<hbm>>
        tpu.enqueue_dma source(%dma_start3A_317 : memref<128xi32, #tpu.memory_space<hbm>>) target(%dma_start3A_316 : memref<128xi32, #tpu.memory_space<vmem>>) target_semaphore(%arg16 : memref<!tpu.dma_semaphore, #tpu.memory_space<semaphore_mem>>)
      } else {
      }
      %mul3A_206 = arith.constant 4 : i32
      %mul3A_207 = arith.muli %mul3A_206, %add3A_129 : i32
      %add3A_208 = arith.constant 2 : i32
      %add3A_209 = arith.addi %mul3A_207, %add3A_208 : i32
      %mul3A_210 = arith.constant 16 : i32
      %mul3A_211 = arith.muli %add3A_209, %mul3A_210 : i32
      %add3A_212 = arith.addi %arg1, %mul3A_211 : i32
      %lt3A_213 = arith.constant 625 : i32
      %lt3A_214 = arith.cmpi slt, %add3A_212, %lt3A_213 : i32
      %convert_element_type3A_215 = arith.extui %lt3A_214 : i1 to i32
      %cond3A_216 = arith.constant 0 : i32
      %cond3A_217 = arith.cmpi ne, %convert_element_type3A_215, %cond3A_216 : i32
      scf.if %cond3A_217 {
        %dma_wait3A_284 = arith.constant 2 : i32
        %dma_wait3A_285 = arith.constant 0 : i32
        %dma_wait3A_286 = arith.constant 0 : i32
        %dma_wait3A_287 = arith.constant 0 : i32
        %dma_wait3A_288 = tpu.memref_slice %arg12[%dma_wait3A_285, %dma_wait3A_286, %dma_wait3A_287] : memref<2x128x128xf32, #tpu.memory_space<vmem>> -> memref<1x64x128xf32, #tpu.memory_space<vmem>>
        %dma_wait3A_289 = tpu.memref_squeeze %dma_wait3A_288 : memref<1x64x128xf32, #tpu.memory_space<vmem>> -> memref<64x128xf32, #tpu.memory_space<vmem>>
        %dma_wait3A_290 = arith.constant 0 : i32
        %dma_wait3A_291 = tpu.memref_slice %arg11[%dma_wait3A_284, %dma_wait3A_290] : memref<4x128xi32, #tpu.memory_space<vmem>> -> memref<1x64xi32, #tpu.memory_space<vmem>>
        %dma_wait3A_292 = tpu.memref_squeeze %dma_wait3A_291 : memref<1x64xi32, #tpu.memory_space<vmem>> -> memref<64xi32, #tpu.memory_space<vmem>>
        %dma_wait3A_293 = arith.constant 0 : i32
        %dma_wait3A_294 = arith.constant 0 : i32
        %dma_wait3A_295 = tpu.memref_slice %arg2[%dma_wait3A_293, %dma_wait3A_294] : memref<40000x128xf32, #tpu.memory_space<hbm>> -> memref<40000x128xf32, #tpu.memory_space<hbm>>
        tpu.wait_indirect_dma semaphore(%arg14 : memref<!tpu.dma_semaphore, #tpu.memory_space<semaphore_mem>>) src(%dma_wait3A_295 : memref<40000x128xf32, #tpu.memory_space<hbm>>) dst(%dma_wait3A_289 : memref<64x128xf32, #tpu.memory_space<vmem>>)
        %dma_wait3A_296 = arith.constant 2 : i32
        %dma_wait3A_297 = arith.constant 0 : i32
        %dma_wait3A_298 = arith.constant 64 : i32
        %dma_wait3A_299 = arith.constant 0 : i32
        %dma_wait3A_300 = tpu.memref_slice %arg12[%dma_wait3A_297, %dma_wait3A_298, %dma_wait3A_299] : memref<2x128x128xf32, #tpu.memory_space<vmem>> -> memref<1x64x128xf32, #tpu.memory_space<vmem>>
        %dma_wait3A_301 = tpu.memref_squeeze %dma_wait3A_300 : memref<1x64x128xf32, #tpu.memory_space<vmem>> -> memref<64x128xf32, #tpu.memory_space<vmem>>
        %dma_wait3A_302 = arith.constant 64 : i32
        %dma_wait3A_303 = tpu.memref_slice %arg11[%dma_wait3A_296, %dma_wait3A_302] : memref<4x128xi32, #tpu.memory_space<vmem>> -> memref<1x64xi32, #tpu.memory_space<vmem>>
        %dma_wait3A_304 = tpu.memref_squeeze %dma_wait3A_303 : memref<1x64xi32, #tpu.memory_space<vmem>> -> memref<64xi32, #tpu.memory_space<vmem>>
        %dma_wait3A_305 = arith.constant 0 : i32
        %dma_wait3A_306 = arith.constant 0 : i32
        %dma_wait3A_307 = tpu.memref_slice %arg2[%dma_wait3A_305, %dma_wait3A_306] : memref<40000x128xf32, #tpu.memory_space<hbm>> -> memref<40000x128xf32, #tpu.memory_space<hbm>>
        tpu.wait_indirect_dma semaphore(%arg15 : memref<!tpu.dma_semaphore, #tpu.memory_space<semaphore_mem>>) src(%dma_wait3A_307 : memref<40000x128xf32, #tpu.memory_space<hbm>>) dst(%dma_wait3A_301 : memref<64x128xf32, #tpu.memory_space<vmem>>)
      } else {
      }
      %lt3A_218 = arith.constant 625 : i32
      %lt3A_219 = arith.cmpi slt, %add3A_212, %lt3A_218 : i32
      %ge3A_220 = arith.constant 1 : i32
      %ge3A_221 = arith.cmpi sge, %add3A_209, %ge3A_220 : i32
      %and3A_222 = arith.andi %lt3A_219, %ge3A_221 : i1
      %convert_element_type3A_223 = arith.extui %and3A_222 : i1 to i32
      %cond3A_224 = arith.constant 0 : i32
      %cond3A_225 = arith.cmpi ne, %convert_element_type3A_223, %cond3A_224 : i32
      scf.if %cond3A_225 {
        %dma_wait3A_284 = arith.constant 1 : i32
        %dma_wait3A_285 = arith.constant 1 : i32
        %dma_wait3A_286 = arith.constant 0 : i32
        %dma_wait3A_287 = arith.constant 0 : i32
        %dma_wait3A_288 = tpu.memref_slice %arg12[%dma_wait3A_284, %dma_wait3A_286, %dma_wait3A_287] : memref<2x128x128xf32, #tpu.memory_space<vmem>> -> memref<1x128x128xf32, #tpu.memory_space<vmem>>
        %dma_wait3A_289 = tpu.memref_squeeze %dma_wait3A_288 : memref<1x128x128xf32, #tpu.memory_space<vmem>> -> memref<128x128xf32, #tpu.memory_space<vmem>>
        %dma_wait3A_290 = arith.constant 0 : i32
        %dma_wait3A_291 = tpu.memref_slice %arg10[%dma_wait3A_285, %dma_wait3A_290] : memref<4x128xi32, #tpu.memory_space<vmem>> -> memref<1x128xi32, #tpu.memory_space<vmem>>
        %dma_wait3A_292 = tpu.memref_squeeze %dma_wait3A_291 : memref<1x128xi32, #tpu.memory_space<vmem>> -> memref<128xi32, #tpu.memory_space<vmem>>
        %dma_wait3A_293 = arith.constant 0 : i32
        %dma_wait3A_294 = arith.constant 0 : i32
        %dma_wait3A_295 = tpu.memref_slice %arg7[%dma_wait3A_293, %dma_wait3A_294] : memref<10000x128xf32, #tpu.memory_space<vmem_shared>> -> memref<10000x128xf32, #tpu.memory_space<vmem_shared>>
        tpu.wait_indirect_dma semaphore(%arg17 : memref<!tpu.dma_semaphore, #tpu.memory_space<semaphore_mem>>) src(%dma_wait3A_289 : memref<128x128xf32, #tpu.memory_space<vmem>>) dst(%dma_wait3A_295 : memref<10000x128xf32, #tpu.memory_space<vmem_shared>>)
      } else {
      }
      %lt3A_226 = arith.constant 625 : i32
      %lt3A_227 = arith.cmpi slt, %add3A_212, %lt3A_226 : i32
      %convert_element_type3A_228 = arith.extui %lt3A_227 : i1 to i32
      %cond3A_229 = arith.constant 0 : i32
      %cond3A_230 = arith.cmpi ne, %convert_element_type3A_228, %cond3A_229 : i32
      scf.if %cond3A_230 {
        %dma_start3A_284 = arith.constant 0 : i32
        %dma_start3A_285 = arith.constant 2 : i32
        %dma_start3A_286 = arith.constant 0 : i32
        %dma_start3A_287 = arith.constant 0 : i32
        %dma_start3A_288 = tpu.memref_slice %arg12[%dma_start3A_284, %dma_start3A_286, %dma_start3A_287] : memref<2x128x128xf32, #tpu.memory_space<vmem>> -> memref<1x128x128xf32, #tpu.memory_space<vmem>>
        %dma_start3A_289 = tpu.memref_squeeze %dma_start3A_288 : memref<1x128x128xf32, #tpu.memory_space<vmem>> -> memref<128x128xf32, #tpu.memory_space<vmem>>
        %dma_start3A_290 = arith.constant 0 : i32
        %dma_start3A_291 = tpu.memref_slice %arg10[%dma_start3A_285, %dma_start3A_290] : memref<4x128xi32, #tpu.memory_space<vmem>> -> memref<1x128xi32, #tpu.memory_space<vmem>>
        %dma_start3A_292 = tpu.memref_squeeze %dma_start3A_291 : memref<1x128xi32, #tpu.memory_space<vmem>> -> memref<128xi32, #tpu.memory_space<vmem>>
        %dma_start3A_293 = arith.constant 0 : i32
        %dma_start3A_294 = arith.constant 0 : i32
        %dma_start3A_295 = tpu.memref_slice %arg7[%dma_start3A_293, %dma_start3A_294] : memref<10000x128xf32, #tpu.memory_space<vmem_shared>> -> memref<10000x128xf32, #tpu.memory_space<vmem_shared>>
        tpu.enqueue_indirect_dma source(%dma_start3A_289 : memref<128x128xf32, #tpu.memory_space<vmem>>) target(%dma_start3A_295 : memref<10000x128xf32, #tpu.memory_space<vmem_shared>>) offsets(%dma_start3A_292 : memref<128xi32, #tpu.memory_space<vmem>>) semaphore(%arg17 : memref<!tpu.dma_semaphore, #tpu.memory_space<semaphore_mem>>) {add = true}
      } else {
      }
      %add3A_231 = arith.constant 16 : i32
      %add3A_232 = arith.addi %add3A_212, %add3A_231 : i32
      %lt3A_233 = arith.constant 625 : i32
      %lt3A_234 = arith.cmpi slt, %add3A_232, %lt3A_233 : i32
      %convert_element_type3A_235 = arith.extui %lt3A_234 : i1 to i32
      %cond3A_236 = arith.constant 0 : i32
      %cond3A_237 = arith.cmpi ne, %convert_element_type3A_235, %cond3A_236 : i32
      scf.if %cond3A_237 {
        %add3A_284 = arith.constant 16 : i32
        %add3A_285 = arith.addi %add3A_212, %add3A_284 : i32
        %mul3A_286 = arith.constant 625 : i32
        %mul3A_287 = arith.muli %arg0, %mul3A_286 : i32
        %add3A_288 = arith.addi %mul3A_287, %add3A_285 : i32
        %mul3A_289 = arith.constant 128 : i32
        %mul3A_290 = arith.muli %add3A_288, %mul3A_289 : i32
        %dma_wait3A_291 = arith.constant 3 : i32
        %dma_wait3A_292 = arith.constant 0 : i32
        %dma_wait3A_293 = tpu.memref_slice %arg8[%dma_wait3A_291, %dma_wait3A_292] : memref<4x128xi32, #tpu.memory_space<vmem>> -> memref<1x128xi32, #tpu.memory_space<vmem>>
        %dma_wait3A_294 = tpu.memref_squeeze %dma_wait3A_293 : memref<1x128xi32, #tpu.memory_space<vmem>> -> memref<128xi32, #tpu.memory_space<vmem>>
        %dma_wait3A_295 = tpu.memref_slice %arg3[%mul3A_290] : memref<160000xi32, #tpu.memory_space<hbm>> -> memref<128xi32, #tpu.memory_space<hbm>>
        %dma_wait3A_296 = arith.constant 0 : i32
        %dma_wait3A_297 = tpu.memref_slice %arg8[%dma_wait3A_291, %dma_wait3A_296] : memref<4x128xi32, #tpu.memory_space<vmem>> -> memref<1x128xi32, #tpu.memory_space<vmem>>
        %dma_wait3A_298 = tpu.memref_squeeze %dma_wait3A_297 : memref<1x128xi32, #tpu.memory_space<vmem>> -> memref<128xi32, #tpu.memory_space<vmem>>
        %dma_wait3A_299 = tpu.memref_slice %arg3[%mul3A_290] : memref<160000xi32, #tpu.memory_space<hbm>> -> memref<128xi32, #tpu.memory_space<hbm>>
        tpu.wait_dma2 semaphore(%arg16 : memref<!tpu.dma_semaphore, #tpu.memory_space<semaphore_mem>>) src(%dma_wait3A_299 : memref<128xi32, #tpu.memory_space<hbm>>) dst(%dma_wait3A_298 : memref<128xi32, #tpu.memory_space<vmem>>)
        %dma_wait3A_300 = arith.constant 3 : i32
        %dma_wait3A_301 = arith.constant 0 : i32
        %dma_wait3A_302 = tpu.memref_slice %arg9[%dma_wait3A_300, %dma_wait3A_301] : memref<4x128xi32, #tpu.memory_space<vmem>> -> memref<1x128xi32, #tpu.memory_space<vmem>>
        %dma_wait3A_303 = tpu.memref_squeeze %dma_wait3A_302 : memref<1x128xi32, #tpu.memory_space<vmem>> -> memref<128xi32, #tpu.memory_space<vmem>>
        %dma_wait3A_304 = tpu.memref_slice %arg4[%mul3A_290] : memref<160000xi32, #tpu.memory_space<hbm>> -> memref<128xi32, #tpu.memory_space<hbm>>
        %dma_wait3A_305 = arith.constant 0 : i32
        %dma_wait3A_306 = tpu.memref_slice %arg9[%dma_wait3A_300, %dma_wait3A_305] : memref<4x128xi32, #tpu.memory_space<vmem>> -> memref<1x128xi32, #tpu.memory_space<vmem>>
        %dma_wait3A_307 = tpu.memref_squeeze %dma_wait3A_306 : memref<1x128xi32, #tpu.memory_space<vmem>> -> memref<128xi32, #tpu.memory_space<vmem>>
        %dma_wait3A_308 = tpu.memref_slice %arg4[%mul3A_290] : memref<160000xi32, #tpu.memory_space<hbm>> -> memref<128xi32, #tpu.memory_space<hbm>>
        tpu.wait_dma2 semaphore(%arg16 : memref<!tpu.dma_semaphore, #tpu.memory_space<semaphore_mem>>) src(%dma_wait3A_308 : memref<128xi32, #tpu.memory_space<hbm>>) dst(%dma_wait3A_307 : memref<128xi32, #tpu.memory_space<vmem>>)
        %dma_wait3A_309 = arith.constant 3 : i32
        %dma_wait3A_310 = arith.constant 0 : i32
        %dma_wait3A_311 = tpu.memref_slice %arg10[%dma_wait3A_309, %dma_wait3A_310] : memref<4x128xi32, #tpu.memory_space<vmem>> -> memref<1x128xi32, #tpu.memory_space<vmem>>
        %dma_wait3A_312 = tpu.memref_squeeze %dma_wait3A_311 : memref<1x128xi32, #tpu.memory_space<vmem>> -> memref<128xi32, #tpu.memory_space<vmem>>
        %dma_wait3A_313 = tpu.memref_slice %arg5[%mul3A_290] : memref<160000xi32, #tpu.memory_space<hbm>> -> memref<128xi32, #tpu.memory_space<hbm>>
        %dma_wait3A_314 = arith.constant 0 : i32
        %dma_wait3A_315 = tpu.memref_slice %arg10[%dma_wait3A_309, %dma_wait3A_314] : memref<4x128xi32, #tpu.memory_space<vmem>> -> memref<1x128xi32, #tpu.memory_space<vmem>>
        %dma_wait3A_316 = tpu.memref_squeeze %dma_wait3A_315 : memref<1x128xi32, #tpu.memory_space<vmem>> -> memref<128xi32, #tpu.memory_space<vmem>>
        %dma_wait3A_317 = tpu.memref_slice %arg5[%mul3A_290] : memref<160000xi32, #tpu.memory_space<hbm>> -> memref<128xi32, #tpu.memory_space<hbm>>
        tpu.wait_dma2 semaphore(%arg16 : memref<!tpu.dma_semaphore, #tpu.memory_space<semaphore_mem>>) src(%dma_wait3A_317 : memref<128xi32, #tpu.memory_space<hbm>>) dst(%dma_wait3A_316 : memref<128xi32, #tpu.memory_space<vmem>>)
        %scan3A_318 = arith.constant 0 : i32
        %scan3A_319 = arith.constant 8 : i32
        %scan3A_320 = arith.addi %scan3A_318, %scan3A_319 : i32
        %scan3A_321 = arith.constant 1 : i32
        scf.for %scan3A_347 = %scan3A_318 to %scan3A_320 step %scan3A_321  : i32 {
          %mul3A_348 = arith.constant 1 : i32
          %mul3A_349 = arith.muli %scan3A_347, %mul3A_348 : i32
          %add3A_350 = arith.constant 0 : i32
          %add3A_351 = arith.addi %add3A_350, %mul3A_349 : i32
          %mul3A_352 = arith.constant 16 : i32
          %mul3A_353 = arith.muli %add3A_351, %mul3A_352 : i32
          %get3A = arith.constant 3 : i32
          %get3A_354 = arith.index_cast %get3A : i32 to index
          %get3A_355 = arith.index_cast %mul3A_353 : i32 to index
          %get3A_356 = tpu.vector_load %arg9[%get3A_354, %get3A_355] {strides = array<i32>} : memref<4x128xi32, #tpu.memory_space<vmem>>, vector<1x16xi32>,
          %get3A_357 = vector.shape_cast %get3A_356 : vector<1x16xi32> to vector<16xi32>
          %mul3A_358 = arith.constant 10000 : i32
          %mul3A_359 = vector.broadcast %mul3A_358 : i32 to vector<16xi32>
          %mul3A_360 = arith.muli %get3A_357, %mul3A_359 : vector<16xi32>
          %get3A_361 = arith.constant 3 : i32
          %get3A_362 = arith.index_cast %get3A_361 : i32 to index
          %get3A_363 = arith.index_cast %mul3A_353 : i32 to index
          %get3A_364 = tpu.vector_load %arg8[%get3A_362, %get3A_363] {strides = array<i32>} : memref<4x128xi32, #tpu.memory_space<vmem>>, vector<1x16xi32>,
          %get3A_365 = vector.shape_cast %get3A_364 : vector<1x16xi32> to vector<16xi32>
          %add3A_366 = arith.addi %mul3A_360, %get3A_365 : vector<16xi32>
          %swap3A = arith.constant 3 : i32
          %swap3A_367 = arith.index_cast %swap3A : i32 to index
          %swap3A_368 = arith.index_cast %mul3A_353 : i32 to index
          %swap3A_369 = tpu.vector_load %arg11[%swap3A_367, %swap3A_368] {strides = array<i32>} : memref<4x128xi32, #tpu.memory_space<vmem>>, vector<1x16xi32>,
          %swap3A_370 = vector.shape_cast %swap3A_369 : vector<1x16xi32> to vector<16xi32>
          %swap3A_371 = vector.shape_cast %add3A_366 : vector<16xi32> to vector<1x16xi32>
          tpu.vector_store %arg11[%swap3A_367, %swap3A_368], %swap3A_371 {strides = array<i32>} : memref<4x128xi32, #tpu.memory_space<vmem>>, vector<1x16xi32>,
        }
        %scan3A_322 = arith.constant 8 : i32
        %dma_start3A_323 = arith.constant 3 : i32
        %dma_start3A_324 = arith.constant 1 : i32
        %dma_start3A_325 = arith.constant 0 : i32
        %dma_start3A_326 = arith.constant 0 : i32
        %dma_start3A_327 = tpu.memref_slice %arg12[%dma_start3A_324, %dma_start3A_325, %dma_start3A_326] : memref<2x128x128xf32, #tpu.memory_space<vmem>> -> memref<1x64x128xf32, #tpu.memory_space<vmem>>
        %dma_start3A_328 = tpu.memref_squeeze %dma_start3A_327 : memref<1x64x128xf32, #tpu.memory_space<vmem>> -> memref<64x128xf32, #tpu.memory_space<vmem>>
        %dma_start3A_329 = arith.constant 0 : i32
        %dma_start3A_330 = tpu.memref_slice %arg11[%dma_start3A_323, %dma_start3A_329] : memref<4x128xi32, #tpu.memory_space<vmem>> -> memref<1x64xi32, #tpu.memory_space<vmem>>
        %dma_start3A_331 = tpu.memref_squeeze %dma_start3A_330 : memref<1x64xi32, #tpu.memory_space<vmem>> -> memref<64xi32, #tpu.memory_space<vmem>>
        %dma_start3A_332 = arith.constant 0 : i32
        %dma_start3A_333 = arith.constant 0 : i32
        %dma_start3A_334 = tpu.memref_slice %arg2[%dma_start3A_332, %dma_start3A_333] : memref<40000x128xf32, #tpu.memory_space<hbm>> -> memref<40000x128xf32, #tpu.memory_space<hbm>>
        tpu.enqueue_indirect_dma source(%dma_start3A_334 : memref<40000x128xf32, #tpu.memory_space<hbm>>) target(%dma_start3A_328 : memref<64x128xf32, #tpu.memory_space<vmem>>) offsets(%dma_start3A_331 : memref<64xi32, #tpu.memory_space<vmem>>) semaphore(%arg14 : memref<!tpu.dma_semaphore, #tpu.memory_space<semaphore_mem>>)
        %dma_start3A_335 = arith.constant 3 : i32
        %dma_start3A_336 = arith.constant 1 : i32
        %dma_start3A_337 = arith.constant 64 : i32
        %dma_start3A_338 = arith.constant 0 : i32
        %dma_start3A_339 = tpu.memref_slice %arg12[%dma_start3A_336, %dma_start3A_337, %dma_start3A_338] : memref<2x128x128xf32, #tpu.memory_space<vmem>> -> memref<1x64x128xf32, #tpu.memory_space<vmem>>
        %dma_start3A_340 = tpu.memref_squeeze %dma_start3A_339 : memref<1x64x128xf32, #tpu.memory_space<vmem>> -> memref<64x128xf32, #tpu.memory_space<vmem>>
        %dma_start3A_341 = arith.constant 64 : i32
        %dma_start3A_342 = tpu.memref_slice %arg11[%dma_start3A_335, %dma_start3A_341] : memref<4x128xi32, #tpu.memory_space<vmem>> -> memref<1x64xi32, #tpu.memory_space<vmem>>
        %dma_start3A_343 = tpu.memref_squeeze %dma_start3A_342 : memref<1x64xi32, #tpu.memory_space<vmem>> -> memref<64xi32, #tpu.memory_space<vmem>>
        %dma_start3A_344 = arith.constant 0 : i32
        %dma_start3A_345 = arith.constant 0 : i32
        %dma_start3A_346 = tpu.memref_slice %arg2[%dma_start3A_344, %dma_start3A_345] : memref<40000x128xf32, #tpu.memory_space<hbm>> -> memref<40000x128xf32, #tpu.memory_space<hbm>>
        tpu.enqueue_indirect_dma source(%dma_start3A_346 : memref<40000x128xf32, #tpu.memory_space<hbm>>) target(%dma_start3A_340 : memref<64x128xf32, #tpu.memory_space<vmem>>) offsets(%dma_start3A_343 : memref<64xi32, #tpu.memory_space<vmem>>) semaphore(%arg15 : memref<!tpu.dma_semaphore, #tpu.memory_space<semaphore_mem>>)
      } else {
      }
      %add3A_238 = arith.constant 32 : i32
      %add3A_239 = arith.addi %add3A_212, %add3A_238 : i32
      %lt3A_240 = arith.constant 625 : i32
      %lt3A_241 = arith.cmpi slt, %add3A_239, %lt3A_240 : i32
      %convert_element_type3A_242 = arith.extui %lt3A_241 : i1 to i32
      %cond3A_243 = arith.constant 0 : i32
      %cond3A_244 = arith.cmpi ne, %convert_element_type3A_242, %cond3A_243 : i32
      scf.if %cond3A_244 {
        %add3A_284 = arith.constant 32 : i32
        %add3A_285 = arith.addi %add3A_212, %add3A_284 : i32
        %mul3A_286 = arith.constant 625 : i32
        %mul3A_287 = arith.muli %arg0, %mul3A_286 : i32
        %add3A_288 = arith.addi %mul3A_287, %add3A_285 : i32
        %mul3A_289 = arith.constant 128 : i32
        %mul3A_290 = arith.muli %add3A_288, %mul3A_289 : i32
        %dma_start3A_291 = arith.constant 0 : i32
        %dma_start3A_292 = arith.constant 0 : i32
        %dma_start3A_293 = tpu.memref_slice %arg8[%dma_start3A_291, %dma_start3A_292] : memref<4x128xi32, #tpu.memory_space<vmem>> -> memref<1x128xi32, #tpu.memory_space<vmem>>
        %dma_start3A_294 = tpu.memref_squeeze %dma_start3A_293 : memref<1x128xi32, #tpu.memory_space<vmem>> -> memref<128xi32, #tpu.memory_space<vmem>>
        %dma_start3A_295 = tpu.memref_slice %arg3[%mul3A_290] : memref<160000xi32, #tpu.memory_space<hbm>> -> memref<128xi32, #tpu.memory_space<hbm>>
        %dma_start3A_296 = arith.constant 0 : i32
        %dma_start3A_297 = tpu.memref_slice %arg8[%dma_start3A_291, %dma_start3A_296] : memref<4x128xi32, #tpu.memory_space<vmem>> -> memref<1x128xi32, #tpu.memory_space<vmem>>
        %dma_start3A_298 = tpu.memref_squeeze %dma_start3A_297 : memref<1x128xi32, #tpu.memory_space<vmem>> -> memref<128xi32, #tpu.memory_space<vmem>>
        %dma_start3A_299 = tpu.memref_slice %arg3[%mul3A_290] : memref<160000xi32, #tpu.memory_space<hbm>> -> memref<128xi32, #tpu.memory_space<hbm>>
        tpu.enqueue_dma source(%dma_start3A_299 : memref<128xi32, #tpu.memory_space<hbm>>) target(%dma_start3A_298 : memref<128xi32, #tpu.memory_space<vmem>>) target_semaphore(%arg16 : memref<!tpu.dma_semaphore, #tpu.memory_space<semaphore_mem>>)
        %dma_start3A_300 = arith.constant 0 : i32
        %dma_start3A_301 = arith.constant 0 : i32
        %dma_start3A_302 = tpu.memref_slice %arg9[%dma_start3A_300, %dma_start3A_301] : memref<4x128xi32, #tpu.memory_space<vmem>> -> memref<1x128xi32, #tpu.memory_space<vmem>>
        %dma_start3A_303 = tpu.memref_squeeze %dma_start3A_302 : memref<1x128xi32, #tpu.memory_space<vmem>> -> memref<128xi32, #tpu.memory_space<vmem>>
        %dma_start3A_304 = tpu.memref_slice %arg4[%mul3A_290] : memref<160000xi32, #tpu.memory_space<hbm>> -> memref<128xi32, #tpu.memory_space<hbm>>
        %dma_start3A_305 = arith.constant 0 : i32
        %dma_start3A_306 = tpu.memref_slice %arg9[%dma_start3A_300, %dma_start3A_305] : memref<4x128xi32, #tpu.memory_space<vmem>> -> memref<1x128xi32, #tpu.memory_space<vmem>>
        %dma_start3A_307 = tpu.memref_squeeze %dma_start3A_306 : memref<1x128xi32, #tpu.memory_space<vmem>> -> memref<128xi32, #tpu.memory_space<vmem>>
        %dma_start3A_308 = tpu.memref_slice %arg4[%mul3A_290] : memref<160000xi32, #tpu.memory_space<hbm>> -> memref<128xi32, #tpu.memory_space<hbm>>
        tpu.enqueue_dma source(%dma_start3A_308 : memref<128xi32, #tpu.memory_space<hbm>>) target(%dma_start3A_307 : memref<128xi32, #tpu.memory_space<vmem>>) target_semaphore(%arg16 : memref<!tpu.dma_semaphore, #tpu.memory_space<semaphore_mem>>)
        %dma_start3A_309 = arith.constant 0 : i32
        %dma_start3A_310 = arith.constant 0 : i32
        %dma_start3A_311 = tpu.memref_slice %arg10[%dma_start3A_309, %dma_start3A_310] : memref<4x128xi32, #tpu.memory_space<vmem>> -> memref<1x128xi32, #tpu.memory_space<vmem>>
        %dma_start3A_312 = tpu.memref_squeeze %dma_start3A_311 : memref<1x128xi32, #tpu.memory_space<vmem>> -> memref<128xi32, #tpu.memory_space<vmem>>
        %dma_start3A_313 = tpu.memref_slice %arg5[%mul3A_290] : memref<160000xi32, #tpu.memory_space<hbm>> -> memref<128xi32, #tpu.memory_space<hbm>>
        %dma_start3A_314 = arith.constant 0 : i32
        %dma_start3A_315 = tpu.memref_slice %arg10[%dma_start3A_309, %dma_start3A_314] : memref<4x128xi32, #tpu.memory_space<vmem>> -> memref<1x128xi32, #tpu.memory_space<vmem>>
        %dma_start3A_316 = tpu.memref_squeeze %dma_start3A_315 : memref<1x128xi32, #tpu.memory_space<vmem>> -> memref<128xi32, #tpu.memory_space<vmem>>
        %dma_start3A_317 = tpu.memref_slice %arg5[%mul3A_290] : memref<160000xi32, #tpu.memory_space<hbm>> -> memref<128xi32, #tpu.memory_space<hbm>>
        tpu.enqueue_dma source(%dma_start3A_317 : memref<128xi32, #tpu.memory_space<hbm>>) target(%dma_start3A_316 : memref<128xi32, #tpu.memory_space<vmem>>) target_semaphore(%arg16 : memref<!tpu.dma_semaphore, #tpu.memory_space<semaphore_mem>>)
      } else {
      }
      %mul3A_245 = arith.constant 4 : i32
      %mul3A_246 = arith.muli %mul3A_245, %add3A_129 : i32
      %add3A_247 = arith.constant 3 : i32
      %add3A_248 = arith.addi %mul3A_246, %add3A_247 : i32
      %mul3A_249 = arith.constant 16 : i32
      %mul3A_250 = arith.muli %add3A_248, %mul3A_249 : i32
      %add3A_251 = arith.addi %arg1, %mul3A_250 : i32
      %lt3A_252 = arith.constant 625 : i32
      %lt3A_253 = arith.cmpi slt, %add3A_251, %lt3A_252 : i32
      %convert_element_type3A_254 = arith.extui %lt3A_253 : i1 to i32
      %cond3A_255 = arith.constant 0 : i32
      %cond3A_256 = arith.cmpi ne, %convert_element_type3A_254, %cond3A_255 : i32
      scf.if %cond3A_256 {
        %dma_wait3A_284 = arith.constant 3 : i32
        %dma_wait3A_285 = arith.constant 1 : i32
        %dma_wait3A_286 = arith.constant 0 : i32
        %dma_wait3A_287 = arith.constant 0 : i32
        %dma_wait3A_288 = tpu.memref_slice %arg12[%dma_wait3A_285, %dma_wait3A_286, %dma_wait3A_287] : memref<2x128x128xf32, #tpu.memory_space<vmem>> -> memref<1x64x128xf32, #tpu.memory_space<vmem>>
        %dma_wait3A_289 = tpu.memref_squeeze %dma_wait3A_288 : memref<1x64x128xf32, #tpu.memory_space<vmem>> -> memref<64x128xf32, #tpu.memory_space<vmem>>
        %dma_wait3A_290 = arith.constant 0 : i32
        %dma_wait3A_291 = tpu.memref_slice %arg11[%dma_wait3A_284, %dma_wait3A_290] : memref<4x128xi32, #tpu.memory_space<vmem>> -> memref<1x64xi32, #tpu.memory_space<vmem>>
        %dma_wait3A_292 = tpu.memref_squeeze %dma_wait3A_291 : memref<1x64xi32, #tpu.memory_space<vmem>> -> memref<64xi32, #tpu.memory_space<vmem>>
        %dma_wait3A_293 = arith.constant 0 : i32
        %dma_wait3A_294 = arith.constant 0 : i32
        %dma_wait3A_295 = tpu.memref_slice %arg2[%dma_wait3A_293, %dma_wait3A_294] : memref<40000x128xf32, #tpu.memory_space<hbm>> -> memref<40000x128xf32, #tpu.memory_space<hbm>>
        tpu.wait_indirect_dma semaphore(%arg14 : memref<!tpu.dma_semaphore, #tpu.memory_space<semaphore_mem>>) src(%dma_wait3A_295 : memref<40000x128xf32, #tpu.memory_space<hbm>>) dst(%dma_wait3A_289 : memref<64x128xf32, #tpu.memory_space<vmem>>)
        %dma_wait3A_296 = arith.constant 3 : i32
        %dma_wait3A_297 = arith.constant 1 : i32
        %dma_wait3A_298 = arith.constant 64 : i32
        %dma_wait3A_299 = arith.constant 0 : i32
        %dma_wait3A_300 = tpu.memref_slice %arg12[%dma_wait3A_297, %dma_wait3A_298, %dma_wait3A_299] : memref<2x128x128xf32, #tpu.memory_space<vmem>> -> memref<1x64x128xf32, #tpu.memory_space<vmem>>
        %dma_wait3A_301 = tpu.memref_squeeze %dma_wait3A_300 : memref<1x64x128xf32, #tpu.memory_space<vmem>> -> memref<64x128xf32, #tpu.memory_space<vmem>>
        %dma_wait3A_302 = arith.constant 64 : i32
        %dma_wait3A_303 = tpu.memref_slice %arg11[%dma_wait3A_296, %dma_wait3A_302] : memref<4x128xi32, #tpu.memory_space<vmem>> -> memref<1x64xi32, #tpu.memory_space<vmem>>
        %dma_wait3A_304 = tpu.memref_squeeze %dma_wait3A_303 : memref<1x64xi32, #tpu.memory_space<vmem>> -> memref<64xi32, #tpu.memory_space<vmem>>
        %dma_wait3A_305 = arith.constant 0 : i32
        %dma_wait3A_306 = arith.constant 0 : i32
        %dma_wait3A_307 = tpu.memref_slice %arg2[%dma_wait3A_305, %dma_wait3A_306] : memref<40000x128xf32, #tpu.memory_space<hbm>> -> memref<40000x128xf32, #tpu.memory_space<hbm>>
        tpu.wait_indirect_dma semaphore(%arg15 : memref<!tpu.dma_semaphore, #tpu.memory_space<semaphore_mem>>) src(%dma_wait3A_307 : memref<40000x128xf32, #tpu.memory_space<hbm>>) dst(%dma_wait3A_301 : memref<64x128xf32, #tpu.memory_space<vmem>>)
      } else {
      }
      %lt3A_257 = arith.constant 625 : i32
      %lt3A_258 = arith.cmpi slt, %add3A_251, %lt3A_257 : i32
      %ge3A_259 = arith.constant 1 : i32
      %ge3A_260 = arith.cmpi sge, %add3A_248, %ge3A_259 : i32
      %and3A_261 = arith.andi %lt3A_258, %ge3A_260 : i1
      %convert_element_type3A_262 = arith.extui %and3A_261 : i1 to i32
      %cond3A_263 = arith.constant 0 : i32
      %cond3A_264 = arith.cmpi ne, %convert_element_type3A_262, %cond3A_263 : i32
      scf.if %cond3A_264 {
        %dma_wait3A_284 = arith.constant 0 : i32
        %dma_wait3A_285 = arith.constant 2 : i32
        %dma_wait3A_286 = arith.constant 0 : i32
        %dma_wait3A_287 = arith.constant 0 : i32
        %dma_wait3A_288 = tpu.memref_slice %arg12[%dma_wait3A_284, %dma_wait3A_286, %dma_wait3A_287] : memref<2x128x128xf32, #tpu.memory_space<vmem>> -> memref<1x128x128xf32, #tpu.memory_space<vmem>>
        %dma_wait3A_289 = tpu.memref_squeeze %dma_wait3A_288 : memref<1x128x128xf32, #tpu.memory_space<vmem>> -> memref<128x128xf32, #tpu.memory_space<vmem>>
        %dma_wait3A_290 = arith.constant 0 : i32
        %dma_wait3A_291 = tpu.memref_slice %arg10[%dma_wait3A_285, %dma_wait3A_290] : memref<4x128xi32, #tpu.memory_space<vmem>> -> memref<1x128xi32, #tpu.memory_space<vmem>>
        %dma_wait3A_292 = tpu.memref_squeeze %dma_wait3A_291 : memref<1x128xi32, #tpu.memory_space<vmem>> -> memref<128xi32, #tpu.memory_space<vmem>>
        %dma_wait3A_293 = arith.constant 0 : i32
        %dma_wait3A_294 = arith.constant 0 : i32
        %dma_wait3A_295 = tpu.memref_slice %arg7[%dma_wait3A_293, %dma_wait3A_294] : memref<10000x128xf32, #tpu.memory_space<vmem_shared>> -> memref<10000x128xf32, #tpu.memory_space<vmem_shared>>
        tpu.wait_indirect_dma semaphore(%arg17 : memref<!tpu.dma_semaphore, #tpu.memory_space<semaphore_mem>>) src(%dma_wait3A_289 : memref<128x128xf32, #tpu.memory_space<vmem>>) dst(%dma_wait3A_295 : memref<10000x128xf32, #tpu.memory_space<vmem_shared>>)
      } else {
      }
      %lt3A_265 = arith.constant 625 : i32
      %lt3A_266 = arith.cmpi slt, %add3A_251, %lt3A_265 : i32
      %convert_element_type3A_267 = arith.extui %lt3A_266 : i1 to i32
      %cond3A_268 = arith.constant 0 : i32
      %cond3A_269 = arith.cmpi ne, %convert_element_type3A_267, %cond3A_268 : i32
      scf.if %cond3A_269 {
        %dma_start3A_284 = arith.constant 1 : i32
        %dma_start3A_285 = arith.constant 3 : i32
        %dma_start3A_286 = arith.constant 0 : i32
        %dma_start3A_287 = arith.constant 0 : i32
        %dma_start3A_288 = tpu.memref_slice %arg12[%dma_start3A_284, %dma_start3A_286, %dma_start3A_287] : memref<2x128x128xf32, #tpu.memory_space<vmem>> -> memref<1x128x128xf32, #tpu.memory_space<vmem>>
        %dma_start3A_289 = tpu.memref_squeeze %dma_start3A_288 : memref<1x128x128xf32, #tpu.memory_space<vmem>> -> memref<128x128xf32, #tpu.memory_space<vmem>>
        %dma_start3A_290 = arith.constant 0 : i32
        %dma_start3A_291 = tpu.memref_slice %arg10[%dma_start3A_285, %dma_start3A_290] : memref<4x128xi32, #tpu.memory_space<vmem>> -> memref<1x128xi32, #tpu.memory_space<vmem>>
        %dma_start3A_292 = tpu.memref_squeeze %dma_start3A_291 : memref<1x128xi32, #tpu.memory_space<vmem>> -> memref<128xi32, #tpu.memory_space<vmem>>
        %dma_start3A_293 = arith.constant 0 : i32
        %dma_start3A_294 = arith.constant 0 : i32
        %dma_start3A_295 = tpu.memref_slice %arg7[%dma_start3A_293, %dma_start3A_294] : memref<10000x128xf32, #tpu.memory_space<vmem_shared>> -> memref<10000x128xf32, #tpu.memory_space<vmem_shared>>
        tpu.enqueue_indirect_dma source(%dma_start3A_289 : memref<128x128xf32, #tpu.memory_space<vmem>>) target(%dma_start3A_295 : memref<10000x128xf32, #tpu.memory_space<vmem_shared>>) offsets(%dma_start3A_292 : memref<128xi32, #tpu.memory_space<vmem>>) semaphore(%arg17 : memref<!tpu.dma_semaphore, #tpu.memory_space<semaphore_mem>>) {add = true}
      } else {
      }
      %add3A_270 = arith.constant 16 : i32
      %add3A_271 = arith.addi %add3A_251, %add3A_270 : i32
      %lt3A_272 = arith.constant 625 : i32
      %lt3A_273 = arith.cmpi slt, %add3A_271, %lt3A_272 : i32
      %convert_element_type3A_274 = arith.extui %lt3A_273 : i1 to i32
      %cond3A_275 = arith.constant 0 : i32
      %cond3A_276 = arith.cmpi ne, %convert_element_type3A_274, %cond3A_275 : i32
      scf.if %cond3A_276 {
        %add3A_284 = arith.constant 16 : i32
        %add3A_285 = arith.addi %add3A_251, %add3A_284 : i32
        %mul3A_286 = arith.constant 625 : i32
        %mul3A_287 = arith.muli %arg0, %mul3A_286 : i32
        %add3A_288 = arith.addi %mul3A_287, %add3A_285 : i32
        %mul3A_289 = arith.constant 128 : i32
        %mul3A_290 = arith.muli %add3A_288, %mul3A_289 : i32
        %dma_wait3A_291 = arith.constant 0 : i32
        %dma_wait3A_292 = arith.constant 0 : i32
        %dma_wait3A_293 = tpu.memref_slice %arg8[%dma_wait3A_291, %dma_wait3A_292] : memref<4x128xi32, #tpu.memory_space<vmem>> -> memref<1x128xi32, #tpu.memory_space<vmem>>
        %dma_wait3A_294 = tpu.memref_squeeze %dma_wait3A_293 : memref<1x128xi32, #tpu.memory_space<vmem>> -> memref<128xi32, #tpu.memory_space<vmem>>
        %dma_wait3A_295 = tpu.memref_slice %arg3[%mul3A_290] : memref<160000xi32, #tpu.memory_space<hbm>> -> memref<128xi32, #tpu.memory_space<hbm>>
        %dma_wait3A_296 = arith.constant 0 : i32
        %dma_wait3A_297 = tpu.memref_slice %arg8[%dma_wait3A_291, %dma_wait3A_296] : memref<4x128xi32, #tpu.memory_space<vmem>> -> memref<1x128xi32, #tpu.memory_space<vmem>>
        %dma_wait3A_298 = tpu.memref_squeeze %dma_wait3A_297 : memref<1x128xi32, #tpu.memory_space<vmem>> -> memref<128xi32, #tpu.memory_space<vmem>>
        %dma_wait3A_299 = tpu.memref_slice %arg3[%mul3A_290] : memref<160000xi32, #tpu.memory_space<hbm>> -> memref<128xi32, #tpu.memory_space<hbm>>
        tpu.wait_dma2 semaphore(%arg16 : memref<!tpu.dma_semaphore, #tpu.memory_space<semaphore_mem>>) src(%dma_wait3A_299 : memref<128xi32, #tpu.memory_space<hbm>>) dst(%dma_wait3A_298 : memref<128xi32, #tpu.memory_space<vmem>>)
        %dma_wait3A_300 = arith.constant 0 : i32
        %dma_wait3A_301 = arith.constant 0 : i32
        %dma_wait3A_302 = tpu.memref_slice %arg9[%dma_wait3A_300, %dma_wait3A_301] : memref<4x128xi32, #tpu.memory_space<vmem>> -> memref<1x128xi32, #tpu.memory_space<vmem>>
        %dma_wait3A_303 = tpu.memref_squeeze %dma_wait3A_302 : memref<1x128xi32, #tpu.memory_space<vmem>> -> memref<128xi32, #tpu.memory_space<vmem>>
        %dma_wait3A_304 = tpu.memref_slice %arg4[%mul3A_290] : memref<160000xi32, #tpu.memory_space<hbm>> -> memref<128xi32, #tpu.memory_space<hbm>>
        %dma_wait3A_305 = arith.constant 0 : i32
        %dma_wait3A_306 = tpu.memref_slice %arg9[%dma_wait3A_300, %dma_wait3A_305] : memref<4x128xi32, #tpu.memory_space<vmem>> -> memref<1x128xi32, #tpu.memory_space<vmem>>
        %dma_wait3A_307 = tpu.memref_squeeze %dma_wait3A_306 : memref<1x128xi32, #tpu.memory_space<vmem>> -> memref<128xi32, #tpu.memory_space<vmem>>
        %dma_wait3A_308 = tpu.memref_slice %arg4[%mul3A_290] : memref<160000xi32, #tpu.memory_space<hbm>> -> memref<128xi32, #tpu.memory_space<hbm>>
        tpu.wait_dma2 semaphore(%arg16 : memref<!tpu.dma_semaphore, #tpu.memory_space<semaphore_mem>>) src(%dma_wait3A_308 : memref<128xi32, #tpu.memory_space<hbm>>) dst(%dma_wait3A_307 : memref<128xi32, #tpu.memory_space<vmem>>)
        %dma_wait3A_309 = arith.constant 0 : i32
        %dma_wait3A_310 = arith.constant 0 : i32
        %dma_wait3A_311 = tpu.memref_slice %arg10[%dma_wait3A_309, %dma_wait3A_310] : memref<4x128xi32, #tpu.memory_space<vmem>> -> memref<1x128xi32, #tpu.memory_space<vmem>>
        %dma_wait3A_312 = tpu.memref_squeeze %dma_wait3A_311 : memref<1x128xi32, #tpu.memory_space<vmem>> -> memref<128xi32, #tpu.memory_space<vmem>>
        %dma_wait3A_313 = tpu.memref_slice %arg5[%mul3A_290] : memref<160000xi32, #tpu.memory_space<hbm>> -> memref<128xi32, #tpu.memory_space<hbm>>
        %dma_wait3A_314 = arith.constant 0 : i32
        %dma_wait3A_315 = tpu.memref_slice %arg10[%dma_wait3A_309, %dma_wait3A_314] : memref<4x128xi32, #tpu.memory_space<vmem>> -> memref<1x128xi32, #tpu.memory_space<vmem>>
        %dma_wait3A_316 = tpu.memref_squeeze %dma_wait3A_315 : memref<1x128xi32, #tpu.memory_space<vmem>> -> memref<128xi32, #tpu.memory_space<vmem>>
        %dma_wait3A_317 = tpu.memref_slice %arg5[%mul3A_290] : memref<160000xi32, #tpu.memory_space<hbm>> -> memref<128xi32, #tpu.memory_space<hbm>>
        tpu.wait_dma2 semaphore(%arg16 : memref<!tpu.dma_semaphore, #tpu.memory_space<semaphore_mem>>) src(%dma_wait3A_317 : memref<128xi32, #tpu.memory_space<hbm>>) dst(%dma_wait3A_316 : memref<128xi32, #tpu.memory_space<vmem>>)
        %scan3A_318 = arith.constant 0 : i32
        %scan3A_319 = arith.constant 8 : i32
        %scan3A_320 = arith.addi %scan3A_318, %scan3A_319 : i32
        %scan3A_321 = arith.constant 1 : i32
        scf.for %scan3A_347 = %scan3A_318 to %scan3A_320 step %scan3A_321  : i32 {
          %mul3A_348 = arith.constant 1 : i32
          %mul3A_349 = arith.muli %scan3A_347, %mul3A_348 : i32
          %add3A_350 = arith.constant 0 : i32
          %add3A_351 = arith.addi %add3A_350, %mul3A_349 : i32
          %mul3A_352 = arith.constant 16 : i32
          %mul3A_353 = arith.muli %add3A_351, %mul3A_352 : i32
          %get3A = arith.constant 0 : i32
          %get3A_354 = arith.index_cast %get3A : i32 to index
          %get3A_355 = arith.index_cast %mul3A_353 : i32 to index
          %get3A_356 = tpu.vector_load %arg9[%get3A_354, %get3A_355] {strides = array<i32>} : memref<4x128xi32, #tpu.memory_space<vmem>>, vector<1x16xi32>,
          %get3A_357 = vector.shape_cast %get3A_356 : vector<1x16xi32> to vector<16xi32>
          %mul3A_358 = arith.constant 10000 : i32
          %mul3A_359 = vector.broadcast %mul3A_358 : i32 to vector<16xi32>
          %mul3A_360 = arith.muli %get3A_357, %mul3A_359 : vector<16xi32>
          %get3A_361 = arith.constant 0 : i32
          %get3A_362 = arith.index_cast %get3A_361 : i32 to index
          %get3A_363 = arith.index_cast %mul3A_353 : i32 to index
          %get3A_364 = tpu.vector_load %arg8[%get3A_362, %get3A_363] {strides = array<i32>} : memref<4x128xi32, #tpu.memory_space<vmem>>, vector<1x16xi32>,
          %get3A_365 = vector.shape_cast %get3A_364 : vector<1x16xi32> to vector<16xi32>
          %add3A_366 = arith.addi %mul3A_360, %get3A_365 : vector<16xi32>
          %swap3A = arith.constant 0 : i32
          %swap3A_367 = arith.index_cast %swap3A : i32 to index
          %swap3A_368 = arith.index_cast %mul3A_353 : i32 to index
          %swap3A_369 = tpu.vector_load %arg11[%swap3A_367, %swap3A_368] {strides = array<i32>} : memref<4x128xi32, #tpu.memory_space<vmem>>, vector<1x16xi32>,
          %swap3A_370 = vector.shape_cast %swap3A_369 : vector<1x16xi32> to vector<16xi32>
          %swap3A_371 = vector.shape_cast %add3A_366 : vector<16xi32> to vector<1x16xi32>
          tpu.vector_store %arg11[%swap3A_367, %swap3A_368], %swap3A_371 {strides = array<i32>} : memref<4x128xi32, #tpu.memory_space<vmem>>, vector<1x16xi32>,
        }
        %scan3A_322 = arith.constant 8 : i32
        %dma_start3A_323 = arith.constant 0 : i32
        %dma_start3A_324 = arith.constant 0 : i32
        %dma_start3A_325 = arith.constant 0 : i32
        %dma_start3A_326 = arith.constant 0 : i32
        %dma_start3A_327 = tpu.memref_slice %arg12[%dma_start3A_324, %dma_start3A_325, %dma_start3A_326] : memref<2x128x128xf32, #tpu.memory_space<vmem>> -> memref<1x64x128xf32, #tpu.memory_space<vmem>>
        %dma_start3A_328 = tpu.memref_squeeze %dma_start3A_327 : memref<1x64x128xf32, #tpu.memory_space<vmem>> -> memref<64x128xf32, #tpu.memory_space<vmem>>
        %dma_start3A_329 = arith.constant 0 : i32
        %dma_start3A_330 = tpu.memref_slice %arg11[%dma_start3A_323, %dma_start3A_329] : memref<4x128xi32, #tpu.memory_space<vmem>> -> memref<1x64xi32, #tpu.memory_space<vmem>>
        %dma_start3A_331 = tpu.memref_squeeze %dma_start3A_330 : memref<1x64xi32, #tpu.memory_space<vmem>> -> memref<64xi32, #tpu.memory_space<vmem>>
        %dma_start3A_332 = arith.constant 0 : i32
        %dma_start3A_333 = arith.constant 0 : i32
        %dma_start3A_334 = tpu.memref_slice %arg2[%dma_start3A_332, %dma_start3A_333] : memref<40000x128xf32, #tpu.memory_space<hbm>> -> memref<40000x128xf32, #tpu.memory_space<hbm>>
        tpu.enqueue_indirect_dma source(%dma_start3A_334 : memref<40000x128xf32, #tpu.memory_space<hbm>>) target(%dma_start3A_328 : memref<64x128xf32, #tpu.memory_space<vmem>>) offsets(%dma_start3A_331 : memref<64xi32, #tpu.memory_space<vmem>>) semaphore(%arg14 : memref<!tpu.dma_semaphore, #tpu.memory_space<semaphore_mem>>)
        %dma_start3A_335 = arith.constant 0 : i32
        %dma_start3A_336 = arith.constant 0 : i32
        %dma_start3A_337 = arith.constant 64 : i32
        %dma_start3A_338 = arith.constant 0 : i32
        %dma_start3A_339 = tpu.memref_slice %arg12[%dma_start3A_336, %dma_start3A_337, %dma_start3A_338] : memref<2x128x128xf32, #tpu.memory_space<vmem>> -> memref<1x64x128xf32, #tpu.memory_space<vmem>>
        %dma_start3A_340 = tpu.memref_squeeze %dma_start3A_339 : memref<1x64x128xf32, #tpu.memory_space<vmem>> -> memref<64x128xf32, #tpu.memory_space<vmem>>
        %dma_start3A_341 = arith.constant 64 : i32
        %dma_start3A_342 = tpu.memref_slice %arg11[%dma_start3A_335, %dma_start3A_341] : memref<4x128xi32, #tpu.memory_space<vmem>> -> memref<1x64xi32, #tpu.memory_space<vmem>>
        %dma_start3A_343 = tpu.memref_squeeze %dma_start3A_342 : memref<1x64xi32, #tpu.memory_space<vmem>> -> memref<64xi32, #tpu.memory_space<vmem>>
        %dma_start3A_344 = arith.constant 0 : i32
        %dma_start3A_345 = arith.constant 0 : i32
        %dma_start3A_346 = tpu.memref_slice %arg2[%dma_start3A_344, %dma_start3A_345] : memref<40000x128xf32, #tpu.memory_space<hbm>> -> memref<40000x128xf32, #tpu.memory_space<hbm>>
        tpu.enqueue_indirect_dma source(%dma_start3A_346 : memref<40000x128xf32, #tpu.memory_space<hbm>>) target(%dma_start3A_340 : memref<64x128xf32, #tpu.memory_space<vmem>>) offsets(%dma_start3A_343 : memref<64xi32, #tpu.memory_space<vmem>>) semaphore(%arg15 : memref<!tpu.dma_semaphore, #tpu.memory_space<semaphore_mem>>)
      } else {
      }
      %add3A_277 = arith.constant 32 : i32
      %add3A_278 = arith.addi %add3A_251, %add3A_277 : i32
      %lt3A_279 = arith.constant 625 : i32
      %lt3A_280 = arith.cmpi slt, %add3A_278, %lt3A_279 : i32
      %convert_element_type3A_281 = arith.extui %lt3A_280 : i1 to i32
      %cond3A_282 = arith.constant 0 : i32
      %cond3A_283 = arith.cmpi ne, %convert_element_type3A_281, %cond3A_282 : i32
      scf.if %cond3A_283 {
        %add3A_284 = arith.constant 32 : i32
        %add3A_285 = arith.addi %add3A_251, %add3A_284 : i32
        %mul3A_286 = arith.constant 625 : i32
        %mul3A_287 = arith.muli %arg0, %mul3A_286 : i32
        %add3A_288 = arith.addi %mul3A_287, %add3A_285 : i32
        %mul3A_289 = arith.constant 128 : i32
        %mul3A_290 = arith.muli %add3A_288, %mul3A_289 : i32
        %dma_start3A_291 = arith.constant 1 : i32
        %dma_start3A_292 = arith.constant 0 : i32
        %dma_start3A_293 = tpu.memref_slice %arg8[%dma_start3A_291, %dma_start3A_292] : memref<4x128xi32, #tpu.memory_space<vmem>> -> memref<1x128xi32, #tpu.memory_space<vmem>>
        %dma_start3A_294 = tpu.memref_squeeze %dma_start3A_293 : memref<1x128xi32, #tpu.memory_space<vmem>> -> memref<128xi32, #tpu.memory_space<vmem>>
        %dma_start3A_295 = tpu.memref_slice %arg3[%mul3A_290] : memref<160000xi32, #tpu.memory_space<hbm>> -> memref<128xi32, #tpu.memory_space<hbm>>
        %dma_start3A_296 = arith.constant 0 : i32
        %dma_start3A_297 = tpu.memref_slice %arg8[%dma_start3A_291, %dma_start3A_296] : memref<4x128xi32, #tpu.memory_space<vmem>> -> memref<1x128xi32, #tpu.memory_space<vmem>>
        %dma_start3A_298 = tpu.memref_squeeze %dma_start3A_297 : memref<1x128xi32, #tpu.memory_space<vmem>> -> memref<128xi32, #tpu.memory_space<vmem>>
        %dma_start3A_299 = tpu.memref_slice %arg3[%mul3A_290] : memref<160000xi32, #tpu.memory_space<hbm>> -> memref<128xi32, #tpu.memory_space<hbm>>
        tpu.enqueue_dma source(%dma_start3A_299 : memref<128xi32, #tpu.memory_space<hbm>>) target(%dma_start3A_298 : memref<128xi32, #tpu.memory_space<vmem>>) target_semaphore(%arg16 : memref<!tpu.dma_semaphore, #tpu.memory_space<semaphore_mem>>)
        %dma_start3A_300 = arith.constant 1 : i32
        %dma_start3A_301 = arith.constant 0 : i32
        %dma_start3A_302 = tpu.memref_slice %arg9[%dma_start3A_300, %dma_start3A_301] : memref<4x128xi32, #tpu.memory_space<vmem>> -> memref<1x128xi32, #tpu.memory_space<vmem>>
        %dma_start3A_303 = tpu.memref_squeeze %dma_start3A_302 : memref<1x128xi32, #tpu.memory_space<vmem>> -> memref<128xi32, #tpu.memory_space<vmem>>
        %dma_start3A_304 = tpu.memref_slice %arg4[%mul3A_290] : memref<160000xi32, #tpu.memory_space<hbm>> -> memref<128xi32, #tpu.memory_space<hbm>>
        %dma_start3A_305 = arith.constant 0 : i32
        %dma_start3A_306 = tpu.memref_slice %arg9[%dma_start3A_300, %dma_start3A_305] : memref<4x128xi32, #tpu.memory_space<vmem>> -> memref<1x128xi32, #tpu.memory_space<vmem>>
        %dma_start3A_307 = tpu.memref_squeeze %dma_start3A_306 : memref<1x128xi32, #tpu.memory_space<vmem>> -> memref<128xi32, #tpu.memory_space<vmem>>
        %dma_start3A_308 = tpu.memref_slice %arg4[%mul3A_290] : memref<160000xi32, #tpu.memory_space<hbm>> -> memref<128xi32, #tpu.memory_space<hbm>>
        tpu.enqueue_dma source(%dma_start3A_308 : memref<128xi32, #tpu.memory_space<hbm>>) target(%dma_start3A_307 : memref<128xi32, #tpu.memory_space<vmem>>) target_semaphore(%arg16 : memref<!tpu.dma_semaphore, #tpu.memory_space<semaphore_mem>>)
        %dma_start3A_309 = arith.constant 1 : i32
        %dma_start3A_310 = arith.constant 0 : i32
        %dma_start3A_311 = tpu.memref_slice %arg10[%dma_start3A_309, %dma_start3A_310] : memref<4x128xi32, #tpu.memory_space<vmem>> -> memref<1x128xi32, #tpu.memory_space<vmem>>
        %dma_start3A_312 = tpu.memref_squeeze %dma_start3A_311 : memref<1x128xi32, #tpu.memory_space<vmem>> -> memref<128xi32, #tpu.memory_space<vmem>>
        %dma_start3A_313 = tpu.memref_slice %arg5[%mul3A_290] : memref<160000xi32, #tpu.memory_space<hbm>> -> memref<128xi32, #tpu.memory_space<hbm>>
        %dma_start3A_314 = arith.constant 0 : i32
        %dma_start3A_315 = tpu.memref_slice %arg10[%dma_start3A_309, %dma_start3A_314] : memref<4x128xi32, #tpu.memory_space<vmem>> -> memref<1x128xi32, #tpu.memory_space<vmem>>
        %dma_start3A_316 = tpu.memref_squeeze %dma_start3A_315 : memref<1x128xi32, #tpu.memory_space<vmem>> -> memref<128xi32, #tpu.memory_space<vmem>>
        %dma_start3A_317 = tpu.memref_slice %arg5[%mul3A_290] : memref<160000xi32, #tpu.memory_space<hbm>> -> memref<128xi32, #tpu.memory_space<hbm>>
        tpu.enqueue_dma source(%dma_start3A_317 : memref<128xi32, #tpu.memory_space<hbm>>) target(%dma_start3A_316 : memref<128xi32, #tpu.memory_space<vmem>>) target_semaphore(%arg16 : memref<!tpu.dma_semaphore, #tpu.memory_space<semaphore_mem>>)
      } else {
      }
    }
    %scan3A_106 = arith.constant 10 : i32
    %dma_wait3A_107 = arith.constant 0 : i32
    %dma_wait3A_108 = arith.constant 0 : i32
    %dma_wait3A_109 = arith.constant 0 : i32
    %dma_wait3A_110 = arith.constant 0 : i32
    %dma_wait3A_111 = tpu.memref_slice %arg12[%dma_wait3A_107, %dma_wait3A_109, %dma_wait3A_110] : memref<2x128x128xf32, #tpu.memory_space<vmem>> -> memref<1x128x128xf32, #tpu.memory_space<vmem>>
    %dma_wait3A_112 = tpu.memref_squeeze %dma_wait3A_111 : memref<1x128x128xf32, #tpu.memory_space<vmem>> -> memref<128x128xf32, #tpu.memory_space<vmem>>
    %dma_wait3A_113 = arith.constant 0 : i32
    %dma_wait3A_114 = tpu.memref_slice %arg10[%dma_wait3A_108, %dma_wait3A_113] : memref<4x128xi32, #tpu.memory_space<vmem>> -> memref<1x128xi32, #tpu.memory_space<vmem>>
    %dma_wait3A_115 = tpu.memref_squeeze %dma_wait3A_114 : memref<1x128xi32, #tpu.memory_space<vmem>> -> memref<128xi32, #tpu.memory_space<vmem>>
    %dma_wait3A_116 = arith.constant 0 : i32
    %dma_wait3A_117 = arith.constant 0 : i32
    %dma_wait3A_118 = tpu.memref_slice %arg7[%dma_wait3A_116, %dma_wait3A_117] : memref<10000x128xf32, #tpu.memory_space<vmem_shared>> -> memref<10000x128xf32, #tpu.memory_space<vmem_shared>>
    tpu.wait_indirect_dma semaphore(%arg17 : memref<!tpu.dma_semaphore, #tpu.memory_space<semaphore_mem>>) src(%dma_wait3A_112 : memref<128x128xf32, #tpu.memory_space<vmem>>) dst(%dma_wait3A_118 : memref<10000x128xf32, #tpu.memory_space<vmem_shared>>)
    %barrier3A_119 = arith.constant 0 : index
    tpu.barrier barrier_id(%barrier3A_119)
    %scan3A_120 = arith.constant 0 : i32
    %scan3A_121 = arith.constant 8 : i32
    %scan3A_122 = arith.addi %scan3A_120, %scan3A_121 : i32
    %scan3A_123 = arith.constant 1 : i32
    scf.for %scan3A_125 = %scan3A_120 to %scan3A_122 step %scan3A_123  : i32 {
      %mul3A_126 = arith.constant 1 : i32
      %mul3A_127 = arith.muli %scan3A_125, %mul3A_126 : i32
      %add3A_128 = arith.constant 0 : i32
      %add3A_129 = arith.addi %add3A_128, %mul3A_127 : i32
      %mul3A_130 = arith.constant 16 : i32
      %mul3A_131 = arith.muli %add3A_129, %mul3A_130 : i32
      %add3A_132 = arith.addi %arg1, %mul3A_131 : i32
      %lt3A_133 = arith.constant 125 : i32
      %lt3A_134 = arith.cmpi slt, %add3A_132, %lt3A_133 : i32
      %convert_element_type3A_135 = arith.extui %lt3A_134 : i1 to i32
      %cond3A_136 = arith.constant 0 : i32
      %cond3A_137 = arith.cmpi ne, %convert_element_type3A_135, %cond3A_136 : i32
      scf.if %cond3A_137 {
        %mul3A_138 = arith.constant 80 : i32
        %mul3A_139 = arith.muli %add3A_132, %mul3A_138 : i32
        "tpu.region"() ({
          %run_scoped3A = tpu.sem_alloc : memref<!tpu.dma_semaphore, #tpu.memory_space<semaphore_mem>>
          %dma_start3A_140 = arith.constant 0 : i32
          %dma_start3A_141 = tpu.memref_slice %arg6[%arg0, %mul3A_139, %dma_start3A_140] : memref<2x10000x128xf32, #tpu.memory_space<hbm>> -> memref<1x80x128xf32, #tpu.memory_space<hbm>>
          %dma_start3A_142 = tpu.memref_squeeze %dma_start3A_141 : memref<1x80x128xf32, #tpu.memory_space<hbm>> -> memref<80x128xf32, #tpu.memory_space<hbm>>
          %dma_start3A_143 = arith.constant 0 : i32
          %dma_start3A_144 = tpu.memref_slice %arg7[%mul3A_139, %dma_start3A_143] : memref<10000x128xf32, #tpu.memory_space<vmem_shared>> -> memref<80x128xf32, #tpu.memory_space<vmem_shared>>
          tpu.enqueue_dma source(%dma_start3A_144 : memref<80x128xf32, #tpu.memory_space<vmem_shared>>) target(%dma_start3A_142 : memref<80x128xf32, #tpu.memory_space<hbm>>) target_semaphore(%run_scoped3A : memref<!tpu.dma_semaphore, #tpu.memory_space<semaphore_mem>>)
          %dma_wait3A_145 = arith.constant 0 : i32
          %dma_wait3A_146 = tpu.memref_slice %arg6[%arg0, %mul3A_139, %dma_wait3A_145] : memref<2x10000x128xf32, #tpu.memory_space<hbm>> -> memref<1x80x128xf32, #tpu.memory_space<hbm>>
          %dma_wait3A_147 = tpu.memref_squeeze %dma_wait3A_146 : memref<1x80x128xf32, #tpu.memory_space<hbm>> -> memref<80x128xf32, #tpu.memory_space<hbm>>
          %dma_wait3A_148 = arith.constant 0 : i32
          %dma_wait3A_149 = tpu.memref_slice %arg7[%mul3A_139, %dma_wait3A_148] : memref<10000x128xf32, #tpu.memory_space<vmem_shared>> -> memref<80x128xf32, #tpu.memory_space<vmem_shared>>
          tpu.wait_dma2 semaphore(%run_scoped3A : memref<!tpu.dma_semaphore, #tpu.memory_space<semaphore_mem>>) src(%dma_wait3A_149 : memref<80x128xf32, #tpu.memory_space<vmem_shared>>) dst(%dma_wait3A_147 : memref<80x128xf32, #tpu.memory_space<hbm>>)
          tpu.yield
        }) : () -> ()
      } else {
      }
    }
    %scan3A_124 = arith.constant 8 : i32
    return
  }
}

module attributes {stable_mosaic.version = 14 : i64} {
  func.func @_proj_body(%arg0: i32, %arg1: memref<10000x128xf32, #tpu.memory_space<vmem>>, %arg2: memref<128x128xf32, #tpu.memory_space<vmem>>, %arg3: memref<4x128xf32, #tpu.memory_space<vmem>>, %arg4: memref<10000x128xf32, #tpu.memory_space<vmem>>) attributes {dimension_semantics = [#tpu.dimension_semantics<arbitrary>], iteration_bounds = array<i64: 4>, scalar_prefetch = 0 : i64, scratch_operands = 0 : i64, tpu.core_type = #tpu.core_type<tc>, window_params = [{pipeline_mode = #tpu.pipeline_mode<synchronous>, transform_indices = @transform_0, window_bounds = array<i64: 10000, 128>}, {transform_indices = @transform_1, window_bounds = array<i64: 128, 128>}, {pipeline_mode = #tpu.pipeline_mode<synchronous>, transform_indices = @transform_2, window_bounds = array<i64: 4, 128>}, {transform_indices = @transform_3, window_bounds = array<i64: 10000, 128>}]} {
    %get3A = arith.constant 0 : index
    %get3A_0 = arith.constant 0 : index
    %get3A_1 = vector.load %arg3[%get3A, %get3A_0] : memref<4x128xf32, #tpu.memory_space<vmem>>, vector<1x128xf32>
    %eq3A = arith.constant 1 : i32
    %eq3A_2 = arith.cmpi eq, %arg0, %eq3A : i32
    %get3A_3 = arith.constant 1 : index
    %get3A_4 = arith.constant 0 : index
    %get3A_5 = vector.load %arg3[%get3A_3, %get3A_4] : memref<4x128xf32, #tpu.memory_space<vmem>>, vector<1x128xf32>
    %select_n3A = arith.select %eq3A_2, %get3A_5, %get3A_1 : vector<1x128xf32>
    %eq3A_6 = arith.constant 2 : i32
    %eq3A_7 = arith.cmpi eq, %arg0, %eq3A_6 : i32
    %get3A_8 = arith.constant 2 : index
    %get3A_9 = arith.constant 0 : index
    %get3A_10 = vector.load %arg3[%get3A_8, %get3A_9] : memref<4x128xf32, #tpu.memory_space<vmem>>, vector<1x128xf32>
    %select_n3A_11 = arith.select %eq3A_7, %get3A_10, %select_n3A : vector<1x128xf32>
    %eq3A_12 = arith.constant 3 : i32
    %eq3A_13 = arith.cmpi eq, %arg0, %eq3A_12 : i32
    %get3A_14 = arith.constant 3 : index
    %get3A_15 = arith.constant 0 : index
    %get3A_16 = vector.load %arg3[%get3A_14, %get3A_15] : memref<4x128xf32, #tpu.memory_space<vmem>>, vector<1x128xf32>
    %select_n3A_17 = arith.select %eq3A_13, %get3A_16, %select_n3A_11 : vector<1x128xf32>
    %get3A_18 = arith.constant 0 : index
    %get3A_19 = arith.constant 0 : index
    %get3A_20 = vector.load %arg1[%get3A_18, %get3A_19] : memref<10000x128xf32, #tpu.memory_space<vmem>>, vector<10000x128xf32>
    %get3A_21 = arith.constant 0 : index
    %get3A_22 = arith.constant 0 : index
    %get3A_23 = vector.load %arg2[%get3A_21, %get3A_22] : memref<128x128xf32, #tpu.memory_space<vmem>>, vector<128x128xf32>
    %dot_general3A = arith.constant dense<0.000000e+00> : vector<10000x128xf32>
    %dot_general3A_24 = tpu.matmul %get3A_20, %get3A_23, %dot_general3A {dimension_numbers = #tpu.dot_dimension_numbers<[1], [0], [0], [1], [0, 0, 1, 1], [], []>, transpose_lhs_hint = false} : vector<10000x128xf32>, vector<128x128xf32>, vector<10000x128xf32> -> vector<10000x128xf32>
    %add3A = vector.broadcast %select_n3A_17 : vector<1x128xf32> to vector<10000x128xf32>
    %add3A_25 = arith.addf %dot_general3A_24, %add3A : vector<10000x128xf32>
    %swap3A = arith.constant 0 : index
    %swap3A_26 = arith.constant 0 : index
    %swap3A_27 = vector.load %arg4[%swap3A, %swap3A_26] : memref<10000x128xf32, #tpu.memory_space<vmem>>, vector<10000x128xf32>
    tpu.vector_store %arg4[%swap3A, %swap3A_26], %add3A_25 {strides = array<i32>} : memref<10000x128xf32, #tpu.memory_space<vmem>>, vector<10000x128xf32>,
    return
  }
  func.func @transform_0(%arg0: i32) -> (i32, i32) {
    %c0_i32 = arith.constant 0 : i32
    %c0_i32_0 = arith.constant 0 : i32
    %c0_i32_1 = arith.constant 0 : i32
    return %c0_i32, %c0_i32_0 : i32, i32
  }
  func.func @transform_1(%arg0: i32) -> (i32, i32) {
    %c0_i32 = arith.constant 0 : i32
    %c0_i32_0 = arith.constant 0 : i32
    return %c0_i32, %arg0 : i32, i32
  }
  func.func @transform_2(%arg0: i32) -> (i32, i32) {
    %c0_i32 = arith.constant 0 : i32
    %c0_i32_0 = arith.constant 0 : i32
    %c0_i32_1 = arith.constant 0 : i32
    return %c0_i32, %c0_i32_0 : i32, i32
  }
  func.func @transform_3(%arg0: i32) -> (i32, i32) {
    %c0_i32 = arith.constant 0 : i32
    %c0_i32_0 = arith.constant 0 : i32
    return %arg0, %c0_i32 : i32, i32
  }
}

module attributes {stable_mosaic.version = 14 : i64} {
  func.func @_hidden_body(%arg0: i32, %arg1: memref<2000x128xf32, #tpu.memory_space<vmem>>, %arg2: memref<128x128xf32, #tpu.memory_space<vmem>>, %arg3: memref<1x128xf32, #tpu.memory_space<vmem>>, %arg4: memref<2000x128xf32, #tpu.memory_space<vmem>>) attributes {dimension_semantics = [#tpu.dimension_semantics<arbitrary>], iteration_bounds = array<i64: 5>, scalar_prefetch = 0 : i64, scratch_operands = 0 : i64, tpu.core_type = #tpu.core_type<tc>, window_params = [{transform_indices = @transform_0, window_bounds = array<i64: 2000, 128>}, {pipeline_mode = #tpu.pipeline_mode<synchronous>, transform_indices = @transform_1, window_bounds = array<i64: 128, 128>}, {pipeline_mode = #tpu.pipeline_mode<synchronous>, transform_indices = @transform_2, window_bounds = array<i64: 1, 128>}, {transform_indices = @transform_3, window_bounds = array<i64: 2000, 128>}]} {
    %get3A = arith.constant 0 : index
    %get3A_0 = arith.constant 0 : index
    %get3A_1 = vector.load %arg1[%get3A, %get3A_0] : memref<2000x128xf32, #tpu.memory_space<vmem>>, vector<2000x128xf32>
    %get3A_2 = arith.constant 0 : index
    %get3A_3 = arith.constant 0 : index
    %get3A_4 = vector.load %arg2[%get3A_2, %get3A_3] : memref<128x128xf32, #tpu.memory_space<vmem>>, vector<128x128xf32>
    %dot_general3A = arith.constant dense<0.000000e+00> : vector<2000x128xf32>
    %dot_general3A_5 = tpu.matmul %get3A_1, %get3A_4, %dot_general3A {dimension_numbers = #tpu.dot_dimension_numbers<[1], [0], [0], [1], [0, 0, 1, 1], [], []>, transpose_lhs_hint = false} : vector<2000x128xf32>, vector<128x128xf32>, vector<2000x128xf32> -> vector<2000x128xf32>
    %get3A_6 = arith.constant 0 : index
    %get3A_7 = arith.constant 0 : index
    %get3A_8 = vector.load %arg3[%get3A_6, %get3A_7] : memref<1x128xf32, #tpu.memory_space<vmem>>, vector<1x128xf32>
    %add3A = vector.broadcast %get3A_8 : vector<1x128xf32> to vector<2000x128xf32>
    %add3A_9 = arith.addf %dot_general3A_5, %add3A : vector<2000x128xf32>
    %swap3A = arith.constant 0 : index
    %swap3A_10 = arith.constant 0 : index
    %swap3A_11 = vector.load %arg4[%swap3A, %swap3A_10] : memref<2000x128xf32, #tpu.memory_space<vmem>>, vector<2000x128xf32>
    tpu.vector_store %arg4[%swap3A, %swap3A_10], %add3A_9 {strides = array<i32>} : memref<2000x128xf32, #tpu.memory_space<vmem>>, vector<2000x128xf32>,
    return
  }
  func.func @transform_0(%arg0: i32) -> (i32, i32) {
    %c0_i32 = arith.constant 0 : i32
    %c0_i32_0 = arith.constant 0 : i32
    return %arg0, %c0_i32 : i32, i32
  }
  func.func @transform_1(%arg0: i32) -> (i32, i32) {
    %c0_i32 = arith.constant 0 : i32
    %c0_i32_0 = arith.constant 0 : i32
    %c0_i32_1 = arith.constant 0 : i32
    return %c0_i32, %c0_i32_0 : i32, i32
  }
  func.func @transform_2(%arg0: i32) -> (i32, i32) {
    %c0_i32 = arith.constant 0 : i32
    %c0_i32_0 = arith.constant 0 : i32
    %c0_i32_1 = arith.constant 0 : i32
    return %c0_i32, %c0_i32_0 : i32, i32
  }
  func.func @transform_3(%arg0: i32) -> (i32, i32) {
    %c0_i32 = arith.constant 0 : i32
    %c0_i32_0 = arith.constant 0 : i32
    return %arg0, %c0_i32 : i32, i32
  }
}

module attributes {stable_mosaic.version = 14 : i64} {
  func.func @_combine_body(%arg0: i32, %arg1: memref<2000x128xf32, #tpu.memory_space<vmem>>, %arg2: memref<2x2000x128xf32, #tpu.memory_space<vmem>>, %arg3: memref<2000x128xf32, #tpu.memory_space<vmem>>) attributes {dimension_semantics = [#tpu.dimension_semantics<arbitrary>], iteration_bounds = array<i64: 5>, scalar_prefetch = 0 : i64, scratch_operands = 0 : i64, tpu.core_type = #tpu.core_type<tc>, window_params = [{transform_indices = @transform_0, window_bounds = array<i64: 2000, 128>}, {transform_indices = @transform_1, window_bounds = array<i64: 2, 2000, 128>}, {transform_indices = @transform_2, window_bounds = array<i64: 2000, 128>}]} {
    %get3A = arith.constant 0 : index
    %get3A_0 = arith.constant 0 : index
    %get3A_1 = arith.constant 0 : index
    %get3A_2 = vector.load %arg2[%get3A, %get3A_0, %get3A_1] : memref<2x2000x128xf32, #tpu.memory_space<vmem>>, vector<2x2000x128xf32>
    %get3A_3 = arith.constant 0 : index
    %get3A_4 = arith.constant 0 : index
    %get3A_5 = vector.load %arg1[%get3A_3, %get3A_4] : memref<2000x128xf32, #tpu.memory_space<vmem>>, vector<2000x128xf32>
    %slice3A = vector.extract_strided_slice %get3A_2 {offsets = [0, 0, 0], sizes = [1, 2000, 128], strides = [1, 1, 1]} : vector<2x2000x128xf32> to vector<1x2000x128xf32>
    %squeeze3A = vector.shape_cast %slice3A : vector<1x2000x128xf32> to vector<2000x128xf32>
    %add3A = arith.addf %get3A_5, %squeeze3A : vector<2000x128xf32>
    %slice3A_6 = vector.extract_strided_slice %get3A_2 {offsets = [1, 0, 0], sizes = [1, 2000, 128], strides = [1, 1, 1]} : vector<2x2000x128xf32> to vector<1x2000x128xf32>
    %squeeze3A_7 = vector.shape_cast %slice3A_6 : vector<1x2000x128xf32> to vector<2000x128xf32>
    %add3A_8 = arith.addf %add3A, %squeeze3A_7 : vector<2000x128xf32>
    %max3A = arith.constant 0.000000e+00 : f32
    %max3A_9 = vector.broadcast %max3A : f32 to vector<2000x128xf32>
    %max3A_10 = arith.maximumf %add3A_8, %max3A_9 : vector<2000x128xf32>
    %swap3A = arith.constant 0 : index
    %swap3A_11 = arith.constant 0 : index
    %swap3A_12 = vector.load %arg3[%swap3A, %swap3A_11] : memref<2000x128xf32, #tpu.memory_space<vmem>>, vector<2000x128xf32>
    tpu.vector_store %arg3[%swap3A, %swap3A_11], %max3A_10 {strides = array<i32>} : memref<2000x128xf32, #tpu.memory_space<vmem>>, vector<2000x128xf32>,
    return
  }
  func.func @transform_0(%arg0: i32) -> (i32, i32) {
    %c0_i32 = arith.constant 0 : i32
    %c0_i32_0 = arith.constant 0 : i32
    return %arg0, %c0_i32 : i32, i32
  }
  func.func @transform_1(%arg0: i32) -> (i32, i32, i32) {
    %c0_i32 = arith.constant 0 : i32
    %c0_i32_0 = arith.constant 0 : i32
    %c0_i32_1 = arith.constant 0 : i32
    return %c0_i32, %arg0, %c0_i32_0 : i32, i32, i32
  }
  func.func @transform_2(%arg0: i32) -> (i32, i32) {
    %c0_i32 = arith.constant 0 : i32
    %c0_i32_0 = arith.constant 0 : i32
    return %arg0, %c0_i32 : i32, i32
  }
}

</mosaic_0001>

<sc_bundles>
// kernel: kernel.6.cloned.1.call-start
scs
__scs_entry_jumppad:
0x0: {  	(pc) =	sbr.rel $0x88, $3  }
0x1: {  	(tag) =	ssettag $0x0;
	lr =	simm.s32 $0x1  }
0x2: {  	[smem:$0x3F9A] =	sst lr;
	_ =	strace $0xD0000000  }
0x3: {  	_ = 	snop  }
0x4: {  	_ = 	snop  }
0x5: {  	_ = 	snop  }
0x6: {  	_ = 	snop  }
0x7: {  	_ = 	snop  }
__scs_overlays_trampoline_lowered:
0x8: {  	[smem:$0x3FA9] =	sst s0  }
0x9: {  	[smem:$0x3FAA] =	sst s1  }
0xa: {  	[smem:$0x3FAB] =	sst s2  }
0xb: {  	[smem:$0x3FAC] =	sst s3  }
0xc: {  	[smem:$0x3FAD] =	sst s4  }
0xd: {  	[smem:$0x3FAE] =	sst s5  }
0xe: {  	[smem:$0x3FAF] =	sst s6  }
0xf: {  	[smem:$0x3FB0] =	sst s7  }
0x10: {  	[smem:$0x3FB1] =	sst s8  }
0x11: {  	[smem:$0x3FB2] =	sst s9;
	s0 =	simm.s32 @!p0 $0x0  }
0x12: {  	s1 =	sld [smem:$0x3F98];
	s0 =	simm.s32 @p0 $0x1  }
0x13: {  	[smem:$0x3FB3] =	sst s0;
	s0 =	simm.s32 @!p1 $0x0  }
0x14: {  	s2 =	sld [smem:$0x3F97];
	s0 =	simm.s32 @p1 $0x1  }
0x15: {  	[smem:$0x3FB4] =	sst s0;
	s0 =	simm.s32 @!p2 $0x0  }
0x16: {  	s3 =	sld [smem:$0x3FDB];
	s0 =	simm.s32 @p2 $0x1  }
0x17: {  	s4 =	simm.s32 $0x1BF5;
	[smem:$0x3FB6] =	sst s0  }
0x18: {  	s0 =	sld [smem:$0x3F99];
	_ =	swait.ge [sflag:s4], $0x0  }
0x19: {  	s7 =	sld [smem:$0x3F9A]  }
0x1a: {  	s8 =	sadd.s32 $0xFFFFE003, lr  }
0x1b: {  	s9 =	sadd.s32 $0xFFFFFEF7, lr;
	s5 =	simm.s32 $0xFFFFFFFF;
	p2 =	slt.u32 s8, $0xFFFFF086  }
0x1c: {  	p1 =	slt.u32 s9, $0xF7A;
	s5 =	simm.s32 @!p2 $0x0  }
0x1d: {  	s5 =	simm.s32 @p1 $0x1;
	p0 =	seq.s32 s7, s2  }
0x1e: {  	s7 =	smul.u32 @!p0 $0xF7A, s2;
	p2 =	seq.s32 @!p0 s5, $0x0  }
0x1f: {  	s9 =	smul.u32 $0xF7A, s1;
	s8 =	simm.s32 @!p0 $0x1BF5;
	p2 =	por !p2, p0  }
0x20: {  	[sflag:s8] =	ssyncset.s32 @!p0 $0xFFFFF086;
	s6 =	sadd.s32 @!p0 s3, s7;
	s7 =	simm.s32 @!p0 $0x108  }
0x21: {  	s3 =	sadd.s32 s3, s9;
	s6 =	sadd.s32 @!p0 $0x88, s6;
	s7 =	simm.s32 @p2 $0x1082  }
0x22: {  	[simem:s7], [sflag:s8] =	dma.local @!p0 [hbm:s6], $0xF7A  }
0x23: {  	s9 =	sor.u32 $0xD0000000, s2;
	s6 =	simm.s32 $0x108;
	_ =	swait.ge @!p0 [sflag:s8], $0x0  }
0x24: {  	s3 =	sadd.s32 $0x88, s3;
	s6 =	simm.s32 @!p1 $0x1082;
	[sflag:s4] =	ssyncset.s32 $0xFFFFF086  }
0x25: {  	[simem:s6], [sflag:s4] =	dma.local [hbm:s3], $0xF7A  }
0x26: {  	[smem:$0x3F9A] =	sst s1;
	(tag) =	ssettag s2;
	_ =	strace s9  }
0x27: {  	s1 =	sld [smem:$0x3FAA]  }
0x28: {  	s2 =	sld [smem:$0x3FAB]  }
0x29: {  	s4 =	sld [smem:$0x3FAD]  }
0x2a: {  	p0 =	seq.s32 s5, $0x0;
	s5 =	sld [smem:$0x3FAE]  }
0x2b: {  	s6 =	sld [smem:$0x3FAF]  }
0x2c: {  	s7 =	sld [smem:$0x3FB0]  }
0x2d: {  	s3 =	simm.s32 $0x108;
	s8 =	sld [smem:$0x3FB1]  }
0x2e: {  	s3 =	simm.s32 @!p0 $0x1082;
	s9 =	sld [smem:$0x3FB2]  }
0x2f: {  	lr =	sadd.s32 s0, s3;
	s0 =	sld [smem:$0x3FA9]  }
0x30: {  	s3 =	sld [smem:$0x3FAC]  }
0x31: {  	[smem:$0x3FB5] =	sst s10  }
0x32: {  	s10 =	sld [smem:$0x3FB3];
	_ =	sdelay $0x3  }
0x33: {  	p0 =	seq.s32 s10, $0x1;
	s10 =	sld [smem:$0x3FB5];
	_ =	sdelay $0x3  }
0x34: {  	[smem:$0x3FB5] =	sst s10  }
0x35: {  	s10 =	sld [smem:$0x3FB4];
	_ =	sdelay $0x3  }
0x36: {  	p1 =	seq.s32 s10, $0x1;
	s10 =	sld [smem:$0x3FB5];
	_ =	sdelay $0x3  }
0x37: {  	[smem:$0x3FB5] =	sst s10  }
0x38: {  	s10 =	sld [smem:$0x3FB6]  }
0x39: {  	_ = 	snop;
	(pc) =	sbr.ind lr, $3  }
0x3a: {  	_ = 	snop  }
0x3b: {  	_ = 	snop  }
0x3c: {  	p2 =	seq.s32 s10, $0x1;
	s10 =	sld [smem:$0x3FB5]  }
0x3d: {  	_ =	shalt  }
0x3e: {  	_ =	shalt  }
0x3f: {  	_ =	shalt  }
0x40: {  	_ =	shalt  }
0x41: {  	_ =	shalt  }
0x42: {  	_ =	shalt  }
0x43: {  	_ =	shalt  }
0x44: {  	_ =	shalt  }
0x45: {  	_ =	shalt  }
0x46: {  	_ =	shalt  }
0x47: {  	_ =	shalt  }
0x48: {  	_ =	shalt  }
0x49: {  	_ =	shalt  }
0x4a: {  	_ =	shalt  }
0x4b: {  	_ =	shalt  }
0x4c: {  	_ =	shalt  }
0x4d: {  	_ =	shalt  }
0x4e: {  	_ =	shalt  }
0x4f: {  	_ =	shalt  }
0x50: {  	_ =	shalt  }
0x51: {  	_ =	shalt  }
0x52: {  	_ =	shalt  }
0x53: {  	_ =	shalt  }
0x54: {  	_ =	shalt  }
0x55: {  	_ =	shalt  }
0x56: {  	_ =	shalt  }
0x57: {  	_ =	shalt  }
0x58: {  	_ =	shalt  }
0x59: {  	_ =	shalt  }
0x5a: {  	_ =	shalt  }
0x5b: {  	_ =	shalt  }
0x5c: {  	_ =	shalt  }
0x5d: {  	_ =	shalt  }
0x5e: {  	_ =	shalt  }
0x5f: {  	_ =	shalt  }
0x60: {  	_ =	shalt  }
0x61: {  	_ =	shalt  }
0x62: {  	_ =	shalt  }
0x63: {  	_ =	shalt  }
0x64: {  	_ =	shalt  }
0x65: {  	_ =	shalt  }
0x66: {  	_ =	shalt  }
0x67: {  	_ =	shalt  }
0x68: {  	_ =	shalt  }
0x69: {  	_ =	shalt  }
0x6a: {  	_ =	shalt  }
0x6b: {  	_ =	shalt  }
0x6c: {  	_ =	shalt  }
0x6d: {  	_ =	shalt  }
0x6e: {  	_ =	shalt  }
0x6f: {  	_ =	shalt  }
0x70: {  	_ =	shalt  }
0x71: {  	_ =	shalt  }
0x72: {  	_ =	shalt  }
0x73: {  	_ =	shalt  }
0x74: {  	_ =	shalt  }
0x75: {  	_ =	shalt  }
0x76: {  	_ =	shalt  }
0x77: {  	_ =	shalt  }
0x78: {  	_ =	shalt  }
0x79: {  	_ =	shalt  }
0x7a: {  	_ =	shalt  }
0x7b: {  	_ =	shalt  }
0x7c: {  	_ =	shalt  }
0x7d: {  	_ =	shalt  }
0x7e: {  	_ =	shalt  }
0x7f: {  	_ =	shalt  }
0x80: {  	_ =	shalt  }
0x81: {  	_ =	shalt  }
0x82: {  	_ =	shalt  }
0x83: {  	_ =	shalt  }
0x84: {  	_ =	shalt  }
0x85: {  	_ =	shalt  }
0x86: {  	_ =	shalt  }
0x87: {  	_ =	shalt  }
.Lfunc_end0:
.L_simem_size_0:
called_computation_lowered:
.L_overlay_start_0:
0x88: {  	s2 =	sld [smem:$0x3FD9]  }
0x89: {  	s3 =	sld [smem:$0x3FFE];
	_ =	sdelay $0x1  }
0x8a: {  	s1 =	srdreg.scid  }
0x8b: {  	s0 =	sand.u32 $0x1, s1  }
0x8c: {  	s17 =	sshll.u32 s0, $0xA;
	s2 =	sadd.s32 s3, s2  }
0x8d: {  	s2 =	sadd.s32 s2, s17  }
0x8e: {  	[smem:$0x3FC1] =	sst s2  }
0x8f: {  	_ = 	snop  }
0x90: {  	s2 =	sld [smem:$0x3FC7]  }
0x91: {  	s18 =	sld [smem:$0x3FD0];
	(tm) =	ssettm $0x1  }
0x92: {  	s4 =	sld [smem:$0x3FFB];
	_ =	sdelay $0x3  }
0x93: {  	_ =	strace s4  }
0x94: {  	s4 =	sld [smem:$0x3FFC];
	_ =	sdelay $0x3  }
0x95: {  	_ =	strace s4  }
0x96: {  	s4 =	sld [smem:$0x3FFD];
	_ =	sdelay $0x3  }
0x97: {  	_ =	strace s4  }
0x98: {  	_ =	strace $0x8FFFFFFF  }
0x99: {  	s19 =	sld [smem:$0x3FDB];
	_ =	sdelay $0x1  }
0x9a: {  	s5 =	simm.s32 $_scs_section_size  }
0x9b: {  	s6 =	simm.s32 $_size__tile_overlayer_lowered;
	s7 =	simm.s32 $_tile_overlayer_lowered  }
0x9c: {  	s22 =	simm.s32 $0x1BFF;
	s21 =	sshll.u32 s7, $0x1;
	s4 =	sadd.s32 s5, s19  }
0x9d: {  	s8 =	simm.s32 $0x0;
	s20 =	sshll.u32 s6, $0x1;
	s6 =	sadd.s32 s21, s4  }
0x9e: {  	[timem:s8], [sflag:s22] =	dma.local [hbm:s6], s20  }
0x9f: {  	_ =	swait.ge [sflag:s22], s20  }
0xa0: {  	s5 =	ssub.s32 $0x0, s20;
	[sflag:s22] =	ssyncset.done $0x0  }
0xa1: {  	[sflag:s22] =	ssyncadd.s32 s5;
	_ =	sdelay $0x1  }
0xa2: {  	s23 =	simm.s32 $0x1B8B  }
0xa3: {  	_ =	swait.ge [sflag:s23], $0x1  }
0xa4: {  	[sflag:s23] =	ssyncset.done $0x0  }
0xa5: {  	s25 =	simm.s32 $0x1B8E;
	s24 =	sld [smem:$0x3FFE];
	[sflag:s23] =	ssyncadd.s32 $0xFFFFFFFF  }
0xa6: {  	s26 =	simm.s32 $execute0_lowered;
	[smem:$0x3FD2] =	sst s25  }
0xa7: {  	s6 =	sshll.u32 s26, $0x1;
	_ =	strace $0x80000046;
	[dreg:$0x1] =	wrdreg $0xFFFFFFFF  }
0xa8: {  	s28 =	simm.s32 $_size_execute0_lowered;
	s4 =	sadd.s32 s4, s6;
	[dreg:$0x0] =	wrdreg $0x0  }
0xa9: {  	s6 =	sshll.u32 s28, $0x1;
	[dreg:$0x2] =	wrdreg s4  }
0xaa: {  	[dreg:$0x3] =	wrdreg s6  }
0xab: {  	[dreg:$0x4] =	wrdreg $0xC0  }
0xac: {  	_ =	task [dreg:s8], $0x5FFFF  }
0xad: {  	[dreg:$0x1] =	wrdreg $0xFFFFFFFF  }
0xae: {  	[dreg:$0x0] =	wrdreg $0x60  }
0xaf: {  	[dreg:$0x2] =	wrdreg s24  }
0xb0: {  	[dreg:$0x3] =	wrdreg s2  }
0xb1: {  	[dreg:$0x4] =	wrdreg s18  }
0xb2: {  	[dreg:$0x5] =	wrdreg $0x0  }
0xb3: {  	[dreg:$0x6] =	wrdreg $0x9  }
0xb4: {  	_ =	task.clear_ibuf [dreg:s8], $0x7FFFF;
	_ =	strace $0x90000046  }
0xb5: {  	s29 =	simm.s32 $0x9;
	_ =	strace $0x80000048  }
0xb6: {  	_ =	swait.ge [sflag:s29], $0x1  }
0xb7: {  	[sflag:s29] =	ssyncadd.s32 $0xFFFFFFFF  }
0xb8: {  	_ =	strace $0x90000048  }
0xb9: {  	_ =	sfence  }
0xba: {  	s30 =	sld [smem:$0x0];
	_ =	sdelay $0x2  }
0xbb: {  	s31 =	sshll.u32 s1, $0xD;
	s1 =	sshrl.u32 s1, $0x2  }
0xbc: {  	s3 =	sand.u32 $0x4000, s31;
	s1 =	sadd.s32 s1, s30  }
0xbd: {  	s0 =	sor.u32 s3, s0;
	s1 =	sshll.u32 s1, $0x11  }
0xbe: {  	s0 =	sor.u32 s1, s0  }
0xbf: {  	s0 =	sadd.s32 $0x8F2B, s0  }
0xc0: {  	[sflag:s0] =	ssyncadd.remote.s32 $0x1  }
0xc1: {  	_ =	sfence.sel $0xFFFF  }
0xc2: {  	[dreg:$0x0] =	wrdreg $0xFFFFFFFF;
	(pc) =	sbr.abs _section_cstart, $3  }
0xc3: {  	[dreg:$0x1] =	wrdreg $0xFFFFFFFF  }
0xc4: {  	_ =	task.clear_ibuf [dreg:s8], $0x2FFFF;
	_ =	strace $0x9FFFFFFF  }
0xc5: {  	(tm) =	ssettm $0x7FFFFFFF  }
tec
execute0_lowered:
.L_overlay_start_1:
0x0: {  	(tag) =	ssettag $0x1  }
0x1: {  	s1 =	srdreg.scid;
	s24 =	stileid.u32  }
0x2: {  	s5 =	sand.u32 $0x1, s1;
	s12 =	smul.u32 $0x2800, s24  }
0x3: {  	s7 =	smul.u32 $0x271, s5  }
0x4: {  	s0 =	rddreg [dreg:$0x0];
	s11 =	sor.u32 $0x10, s24;
	s9 =	smul.u32 $0x138800, s5  }
0x5: {  	s4 =	rddreg [dreg:$0x1];
	s13 =	sor.u32 $0x20, s24;
	s14 =	smul.u32 $0x2800, s11  }
0x6: {  	s6 =	rddreg [dreg:$0x2];
	s25 =	sor.u32 $0x30, s24;
	s15 =	smul.u32 $0x2800, s13  }
0x7: {  	s28 =	simm.s32 $0x4;
	s23 =	sor.u32 $0x40, s24;
	s16 =	smul.u32 $0x2800, s25  }
0x8: {  	s29 =	simm.s32 $0x13F80;
	s3 =	sor.u32 $0x60, s24;
	s18 =	smul.u32 $0x2800, s23  }
0x9: {  	s30 =	simm.s32 $0x13FC0;
	s1 =	ssub.s32 $0x2, s5;
	s21 =	smul.u32 $0x2800, s3  }
0xa: {  	s8 =	sadd.s32 $0x600, s0;
	s5 =	smul.u32 $0x2710, s5;
	s2 =	sshrl.u32 s1, $0x1  }
0xb: {  	s10 =	sadd.s32 $0xA1A00, s0;
	s3 =	smul.u32 $0xA000, s3;
	s17 =	ssub.s32 s1, s2  }
0xc: {  	s22 =	sadd.s32 s24, s7;
	s2 =	sor.u32 $0x50, s24;
	s1 =	sor.u32 $0x70, s24  }
0xd: {  	s12 =	sadd.s32 s9, s12;
	s14 =	sadd.s32 s9, s14;
	s15 =	sadd.s32 s9, s15  }
0xe: {  	s16 =	sadd.s32 s9, s16;
	s18 =	sadd.s32 s9, s18;
	s21 =	sadd.s32 s9, s21  }
0xf: {  	s7 =	sadd.s32 s7, s11;
	s19 =	sshll.u32 s22, $0x4;
	s20 =	smul.u32 $0x2800, s2  }
0x10: {  	s12 =	sshrl.u32 s12, $0x3;
	s22 =	smul.u32 $0x2800, s1;
	s14 =	sshrl.u32 s14, $0x3  }
0x11: {  	s7 =	sshll.u32 s7, $0x4;
	s2 =	smul.u32 $0xA000, s2;
	p0 =	sgt.u32 s1, $0x7C  }
0x12: {  	s1 =	smul.u32 $0xA000, s1;
	s26 =	sadd.s32 s8, s19;
	s12 =	sadd.s32 s10, s12  }
0x13: {  	s20 =	sadd.s32 s9, s20;
	s9 =	sadd.s32 s9, s22;
	[dreg:$0x6] =	wrdreg s26  }
0x14: {  	[dreg:$0x7] =	wrdreg s12;
	s12 =	sadd.s32 s10, s14;
	s22 =	sshrl.u32 s15, $0x3  }
0x15: {  	s26 =	sshrl.u32 s16, $0x3;
	[dreg:$0x8] =	wrdreg s12;
	s12 =	sadd.s32 s10, s22  }
0x16: {  	s16 =	sshrl.u32 s18, $0x3;
	s15 =	sadd.s32 s10, s26;
	[dreg:$0x9] =	wrdreg s12  }
0x17: {  	s14 =	smul.u32 $0xA000, s11;
	s22 =	sadd.s32 s4, s19;
	[dreg:$0xa] =	wrdreg s15  }
0x18: {  	s18 =	sshrl.u32 s20, $0x3;
	s26 =	sadd.s32 s6, s19;
	[dreg:$0xf] =	wrdreg s22  }
0x19: {  	s20 =	sshrl.u32 s21, $0x3;
	s12 =	sadd.s32 s10, s16;
	[dreg:$0x10] =	wrdreg s26  }
0x1a: {  	s9 =	sshrl.u32 s9, $0x3;
	s21 =	sadd.s32 s10, s20;
	[dreg:$0xb] =	wrdreg s12  }
0x1b: {  	s11 =	smul.u32 $0xA000, s25;
	s9 =	sadd.s32 s10, s9;
	[dreg:$0xd] =	wrdreg s21  }
0x1c: {  	s1 =	sshrl.u32 s1, $0x2;
	s16 =	simm.s32 $0x0;
	[dreg:$0xe] =	wrdreg s9  }
0x1d: {  	s15 =	smul.u32 $0xA000, s13;
	s26 =	sshll.u32 s24, $0x4;
	[smem:$0x7FF] =	sst s16  }
0x1e: {  	s22 =	sadd.s32 $0x5600, s0;
	s12 =	sadd.s32 s10, s18;
	s18 =	rddreg [dreg:$0x3]  }
0x1f: {  	s10 =	sadd.s32 s8, s7;
	s9 =	smul.u32 $0xA000, s23;
	[dreg:$0xc] =	wrdreg s12  }
0x20: {  	s23 =	sshrl.u32 s2, $0x2;
	s2 =	simm.s32 $0x3;
	[dreg:$0x11] =	wrdreg s10  }
0x21: {  	s12 =	sadd.s32 s4, s7;
	s7 =	sadd.s32 s6, s7;
	s6 =	sadd.s32 s5, s6  }
0x22: {  	s4 =	sadd.s32 s5, s4;
	s5 =	sadd.s32 s5, s8;
	s10 =	sshrl.u32 s14, $0x2  }
0x23: {  	s14 =	sshrl.u32 s11, $0x2;
	s8 =	simm.s32 $0x13D00;
	[dreg:$0x12] =	wrdreg s12  }
0x24: {  	s11 =	simm.s32 $0x1;
	[dreg:$0x13] =	wrdreg s7;
	s19 =	sadd.s32 s26, s6  }
0x25: {  	s20 =	sadd.s32 s26, s4;
	s21 =	sadd.s32 s26, s5;
	s5 =	smul.u32 $0xA000, s24  }
0x26: {  	s6 =	smax.u32 s17, $0x1;
	s17 =	sadd.s32 s10, s18;
	s12 =	sshrl.u32 s15, $0x2  }
0x27: {  	s0 =	sshrl.u32 s9, $0x2;
	s15 =	sadd.s32 s14, s18;
	s24 =	sshrl.u32 s3, $0x2  }
0x28: {  	s26 =	sadd.s32 s1, s18;
	s3 =	simm.s32 $0x40;
	s7 =	simm.s32 $0x16080  }
0x29: {  	s10 =	simm.s32 $0x5;
	_ =	strace $0x80000047;
	[dreg:$0x14] =	wrdreg s6  }
0x2a: {  	s1 =	simm.s32 $0x80;
	s14 =	simm.s32 $0x18080;
	[dreg:$0x5] =	wrdreg s25  }
0x2b: {  	s9 =	simm.s32 $0x0;
	s31 =	sadd.s32 s12, s18;
	[dreg:$0x18] =	wrdreg s15  }
0x2c: {  	s0 =	sadd.s32 s0, s18;
	s25 =	sadd.s32 s24, s18;
	[dreg:$0x1c] =	wrdreg s26  }
0x2d: {  	s12 =	simm.s32 $0x2;
	s15 =	simm.s32 $0x13F40;
	[dreg:$0x16] =	wrdreg s17  }
.Ltmp0:
0x2e: {  	s24 =	simm.s32 $0x13980;
	[dreg:$0x19] =	wrdreg s0;
	(pc) =	sbr.rel .LBB2_1-.Ltmp0, $4  }
0x2f: {  	s26 =	simm.s32 $0x13D80;
	s4 =	sshrl.u32 s5, $0x2;
	[dreg:$0x1b] =	wrdreg s25  }
0x30: {  	s0 =	sadd.s32 s23, s18;
	s5 =	simm.s32 $0x14080;
	[dreg:$0x17] =	wrdreg s31  }
0x31: {  	s23 =	simm.s32 $0x1A080;
	s13 =	sadd.s32 s4, s18;
	[dreg:$0x1a] =	wrdreg s0  }
0x32: {  	v0 =	vimm.f32 $0.0e+00;
	s25 =	simm.s32 $0x13B80;
	s0 =	simm.s32 $0x13C80;
	[dreg:$0x15] =	wrdreg s13  }
.LBB2_9:
0x33: {  	_ =	swait.ge [sflag:s28], $0x4000  }
0x34: {  	[sflag:s28] =	ssyncset.done $0x0  }
0x35: {  	[sflag:s28] =	ssyncadd.s32 $0xFFFFC000  }
0x36: {  	s4 =	stileid.u32;
	[bflag:$0x0] =	sbarrier.arrive $0xFFFF  }
0x37: {  	s4 =	sshll.u32 s4, $0x6;
	s13 =	rddreg [dreg:$0x15]  }
0x38: {  	s4 =	sor.u32 $0x1C05, s4;
	s9 =	rddreg [dreg:$0x7];
	s6 =	sshrl.u32 s13, $0x3  }
0x39: {  	[hbm:s9], [sflag:s4] =	dma.local [spmem:s6], $0x500  }
0x3a: {  	_ =	swait.ge [sflag:s10], $0x500  }
0x3b: {  	[sflag:s10] =	ssyncset.done $0x0;
	s17 =	rddreg [dreg:$0x16]  }
0x3c: {  	s9 =	rddreg [dreg:$0x8];
	[sflag:s10] =	ssyncadd.s32 $0xFFFFFB00;
	s6 =	sshrl.u32 s17, $0x3  }
0x3d: {  	[hbm:s9], [sflag:s4] =	dma.local [spmem:s6], $0x500  }
0x3e: {  	_ =	swait.ge [sflag:s10], $0x500  }
0x3f: {  	[sflag:s10] =	ssyncset.done $0x0;
	s31 =	rddreg [dreg:$0x17]  }
0x40: {  	s9 =	rddreg [dreg:$0x9];
	[sflag:s10] =	ssyncadd.s32 $0xFFFFFB00;
	s6 =	sshrl.u32 s31, $0x3  }
0x41: {  	[hbm:s9], [sflag:s4] =	dma.local [spmem:s6], $0x500  }
0x42: {  	_ =	swait.ge [sflag:s10], $0x500  }
0x43: {  	[sflag:s10] =	ssyncset.done $0x0;
	s9 =	rddreg [dreg:$0x18]  }
0x44: {  	[sflag:s10] =	ssyncadd.s32 $0xFFFFFB00;
	s6 =	sshrl.u32 s9, $0x3;
	s9 =	rddreg [dreg:$0xa]  }
0x45: {  	[hbm:s9], [sflag:s4] =	dma.local [spmem:s6], $0x500  }
0x46: {  	_ =	swait.ge [sflag:s10], $0x500  }
0x47: {  	[sflag:s10] =	ssyncset.done $0x0;
	s9 =	rddreg [dreg:$0x19]  }
0x48: {  	[sflag:s10] =	ssyncadd.s32 $0xFFFFFB00;
	s6 =	sshrl.u32 s9, $0x3;
	s9 =	rddreg [dreg:$0xb]  }
0x49: {  	[hbm:s9], [sflag:s4] =	dma.local [spmem:s6], $0x500  }
0x4a: {  	_ =	swait.ge [sflag:s10], $0x500  }
0x4b: {  	[sflag:s10] =	ssyncset.done $0x0;
	s9 =	rddreg [dreg:$0x1a]  }
0x4c: {  	[sflag:s10] =	ssyncadd.s32 $0xFFFFFB00;
	s6 =	sshrl.u32 s9, $0x3;
	s9 =	rddreg [dreg:$0xc]  }
0x4d: {  	[hbm:s9], [sflag:s4] =	dma.local [spmem:s6], $0x500  }
0x4e: {  	_ =	swait.ge [sflag:s10], $0x500  }
0x4f: {  	[sflag:s10] =	ssyncset.done $0x0;
	s9 =	rddreg [dreg:$0x1b]  }
0x50: {  	[sflag:s10] =	ssyncadd.s32 $0xFFFFFB00;
	s6 =	sshrl.u32 s9, $0x3;
	s9 =	rddreg [dreg:$0xd]  }
0x51: {  	[hbm:s9], [sflag:s4] =	dma.local [spmem:s6], $0x500  }
0x52: {  	_ =	swait.ge [sflag:s10], $0x500  }
0x53: {  	[sflag:s10] =	ssyncset.done $0x0;
	s6 =	rddreg [dreg:$0x1c]  }
0x54: {  	s9 =	rddreg [dreg:$0xe];
	[sflag:s10] =	ssyncadd.s32 $0xFFFFFB00;
	s6 =	sshrl.u32 @!p0 s6, $0x3  }
0x55: {  	[hbm:s9], [sflag:s4] =	dma.local @!p0 [spmem:s6], $0x500  }
0x56: {  	s4 =	simm.s32 @!p0 $0x5  }
0x57: {  	_ =	swait.ge @!p0 [sflag:s4], $0x500  }
0x58: {  	s6 =	rddreg [dreg:$0x1d]  }
0x59: {  	s9 =	sadd.s32 $0x1, s6;
	s6 =	rddreg [dreg:$0x14]  }
0x5a: {  	p1 =	sne.s32 s9, s6  }
.Ltmp1:
0x5b: {  	_ = 	snop;
	(pc) =	sbr.rel @!p1 .LBB2_10-.Ltmp1, $3  }
0x5c: {  	_ =	sdelay $0x1  }
0x5d: {  	[sflag:s4] =	ssyncset.done @!p0 $0x0  }
0x5e: {  	[sflag:s4] =	ssyncadd.s32 @!p0 $0xFFFFFB00  }
.LBB2_1:
0x5f: {  	[dreg:$0x1d] =	wrdreg s9  }
0x60: {  	s4 =	rddreg [dreg:$0x6];
	s6 =	simm.s32 $0x13880  }
0x61: {  	[tilespmem:s6], [sflag:$0x3] =	stream.linear.gather [hbm4b:s4+s16], $0x80, $0x38;
	[tilespmem:$0x1E880] =	vst v63  }
0x62: {  	s9 =	simm.s32 $0x13A80;
	s6 =	rddreg [dreg:$0xf]  }
0x63: {  	[tilespmem:s9], [sflag:$0x3] =	stream.linear.gather [hbm4b:s6+s16], $0x80, $0x38;
	[tilespmem:$0x1E880] =	vst v63  }
0x64: {  	s9 =	rddreg [dreg:$0x10]  }
0x65: {  	[tilespmem:s0], [sflag:$0x3] =	stream.linear.gather [hbm4b:s9+s16], $0x80, $0x38;
	[tilespmem:$0x1E880] =	vst v63  }
0x66: {  	_ =	swait.ge [sflag:s2], $0x80  }
0x67: {  	[sflag:s2] =	ssyncset.done $0x0  }
0x68: {  	[sflag:s2] =	ssyncadd.s32 $0xFFFFFF80  }
0x69: {  	_ =	swait.ge [sflag:s2], $0x80  }
0x6a: {  	[sflag:s2] =	ssyncset.done $0x0  }
0x6b: {  	[sflag:s2] =	ssyncadd.s32 $0xFFFFFF80  }
0x6c: {  	_ =	swait.ge [sflag:s2], $0x80  }
0x6d: {  	[sflag:s2] =	ssyncset.done $0x0  }
0x6e: {  	[sflag:s2] =	ssyncadd.s32 $0xFFFFFF80  }
0x6f: {  	v1 =	vld [tilespmem:$0x13A80]  }
0x70: {  	v2 =	vld [tilespmem:$0x13880]  }
0x71: {  	v3 =	vld [tilespmem:$0x13A90]  }
0x72: {  	v4 =	vld [tilespmem:$0x13890]  }
0x73: {  	v5 =	vld [tilespmem:$0x13AA0]  }
0x74: {  	v6 =	vld [tilespmem:$0x138A0]  }
0x75: {  	v7 =	vld [tilespmem:$0x13AB0]  }
0x76: {  	v8 =	vld [tilespmem:$0x138B0]  }
0x77: {  	v9 =	vld [tilespmem:$0x13AC0]  }
0x78: {  	v10 =	vld [tilespmem:$0x138C0]  }
0x79: {  	v11 =	vld [tilespmem:$0x13AD0]  }
0x7a: {  	v12 =	vld [tilespmem:$0x138D0];
	v1 =	vmul.u32 $0x2710, v1  }
0x7b: {  	v13 =	vld [tilespmem:$0x13AE0];
	v3 =	vmul.u32 $0x2710, v3  }
0x7c: {  	v61 =	vld [tilespmem:$0x13AF0];
	v1 =	vadd.s32 v2, v1;
	v2 =	vmul.u32 $0x2710, v5  }
0x7d: {  	v62 =	vld [tilespmem:$0x138E0];
	[tilespmem:$0x13E80] =	vst v1;
	v1 =	vadd.s32 v4, v3;
	v3 =	vmul.u32 $0x2710, v7  }
0x7e: {  	v63 =	vld [tilespmem:$0x138F0];
	[tilespmem:$0x13E90] =	vst v1;
	v1 =	vadd.s32 v6, v2;
	v2 =	vmul.u32 $0x2710, v9  }
0x7f: {  	[tilespmem:$0x13EA0] =	vst v1;
	v1 =	vadd.s32 v8, v3;
	v3 =	vmul.u32 $0x2710, v11  }
0x80: {  	[tilespmem:$0x13EB0] =	vst v1;
	v1 =	vadd.s32 v10, v2;
	v2 =	vmul.u32 $0x2710, v13  }
0x81: {  	[tilespmem:$0x13EC0] =	vst v1;
	v1 =	vadd.s32 v12, v3;
	v3 =	vmul.u32 $0x2710, v61  }
0x82: {  	[tilespmem:$0x13ED0] =	vst v1;
	v1 =	vadd.s32 v62, v2  }
0x83: {  	[tilespmem:$0x13EE0] =	vst v1;
	v1 =	vadd.s32 v63, v3  }
0x84: {  	s6 =	simm.s32 $0x13E80;
	[tilespmem:$0x13EF0] =	vst v1  }
0x85: {  	[tilespmem:s5], [sflag:$0x1] =	stream.indirect.gather [hbm4b:s22+s3], $0x80, s6, s3, $0xb8;
	[tilespmem:$0x1E880] =	vst v63  }
0x86: {  	s9 =	simm.s32 $0x13EC0  }
0x87: {  	[tilespmem:s7], [sflag:$0x2] =	stream.indirect.gather [hbm4b:s22+s3], $0x80, s9, s3, $0xb8;
	[tilespmem:$0x1E880] =	vst v63  }
0x88: {  	s6 =	rddreg [dreg:$0x11];
	s9 =	simm.s32 $0x13900  }
0x89: {  	[tilespmem:s9], [sflag:$0x3] =	stream.linear.gather [hbm4b:s6+s16], $0x80, $0x38;
	[tilespmem:$0x1E880] =	vst v63  }
0x8a: {  	s6 =	rddreg [dreg:$0x12];
	s9 =	simm.s32 $0x13B00  }
0x8b: {  	[tilespmem:s9], [sflag:$0x3] =	stream.linear.gather [hbm4b:s6+s16], $0x80, $0x38;
	[tilespmem:$0x1E880] =	vst v63  }
0x8c: {  	s9 =	rddreg [dreg:$0x13]  }
0x8d: {  	[tilespmem:s8], [sflag:$0x3] =	stream.linear.gather [hbm4b:s9+s16], $0x80, $0x38;
	[tilespmem:$0x1E880] =	vst v63  }
0x8e: {  	s4 =	simm.s32 $0x70;
	s9 =	simm.s32 $0x3C0  }
.LBB2_2:
0x8f: {  	p1 =	sne.s32 s9, $0x9FC0;
	[tilespmem:s4+$0x1C080] =	vst v0  }
0x90: {  	[tilespmem:s4+$0x1C010] =	vst v0  }
0x91: {  	[tilespmem:s4+$0x1C020] =	vst v0  }
.Ltmp2:
0x92: {  	[tilespmem:s4+$0x1C030] =	vst v0;
	(pc) =	sbr.rel @p1 .LBB2_2-.Ltmp2, $4  }
0x93: {  	[tilespmem:s4+$0x1C040] =	vst v0  }
0x94: {  	[tilespmem:s4+$0x1C050] =	vst v0  }
0x95: {  	[tilespmem:s4+$0x1C060] =	vst v0  }
0x96: {  	[tilespmem:s4+$0x1C070] =	vst v0;
	s4 =	sshra.s32 s9, $0x2;
	s9 =	sadd.s32 $0x200, s9  }
0x97: {  	[tilespmem:s4+$0x1C080] =	vst v0  }
0x98: {  	[tilespmem:s4+$0x1C010] =	vst v0  }
0x99: {  	[tilespmem:s4+$0x1C020] =	vst v0  }
0x9a: {  	[tilespmem:s4+$0x1C030] =	vst v0  }
0x9b: {  	[tilespmem:s4+$0x1C040] =	vst v0  }
0x9c: {  	[tilespmem:s4+$0x1C050] =	vst v0  }
0x9d: {  	[tilespmem:s4+$0x1C060] =	vst v0  }
0x9e: {  	[tilespmem:s4+$0x1C070] =	vst v0;
	s6 =	simm.s32 $0x1C080  }
0x9f: {  	[spmem:s13] =	stream.linear.scatter [tilespmem:s6], [sflag:$0x5], $0x2800, $0x38;
	[tilespmem:$0x1E880] =	vst v63  }
0xa0: {  	_ =	swait.ge [sflag:s10], $0x2800  }
0xa1: {  	[sflag:s10] =	ssyncset.done $0x0  }
0xa2: {  	[sflag:s10] =	ssyncadd.s32 $0xFFFFD800  }
0xa3: {  	[spmem:s17] =	stream.linear.scatter [tilespmem:s6], [sflag:$0x5], $0x2800, $0x38;
	[tilespmem:$0x1E880] =	vst v63  }
0xa4: {  	_ =	swait.ge [sflag:s10], $0x2800  }
0xa5: {  	[sflag:s10] =	ssyncset.done $0x0  }
0xa6: {  	[sflag:s10] =	ssyncadd.s32 $0xFFFFD800  }
0xa7: {  	[spmem:s31] =	stream.linear.scatter [tilespmem:s6], [sflag:$0x5], $0x2800, $0x38;
	[tilespmem:$0x1E880] =	vst v63  }
0xa8: {  	_ =	swait.ge [sflag:s10], $0x2800  }
0xa9: {  	[sflag:s10] =	ssyncset.done $0x0  }
0xaa: {  	s17 =	rddreg [dreg:$0x18];
	[sflag:s10] =	ssyncadd.s32 $0xFFFFD800  }
0xab: {  	[spmem:s17] =	stream.linear.scatter [tilespmem:s6], [sflag:$0x5], $0x2800, $0x38;
	[tilespmem:$0x1E880] =	vst v63  }
0xac: {  	_ =	swait.ge [sflag:s10], $0x2800  }
0xad: {  	[sflag:s10] =	ssyncset.done $0x0  }
0xae: {  	s9 =	rddreg [dreg:$0x19];
	[sflag:s10] =	ssyncadd.s32 $0xFFFFD800  }
0xaf: {  	[spmem:s9] =	stream.linear.scatter [tilespmem:s6], [sflag:$0x5], $0x2800, $0x38;
	[tilespmem:$0x1E880] =	vst v63  }
0xb0: {  	_ =	swait.ge [sflag:s10], $0x2800  }
0xb1: {  	[sflag:s10] =	ssyncset.done $0x0  }
0xb2: {  	s13 =	rddreg [dreg:$0x1a];
	[sflag:s10] =	ssyncadd.s32 $0xFFFFD800  }
0xb3: {  	[spmem:s13] =	stream.linear.scatter [tilespmem:s6], [sflag:$0x5], $0x2800, $0x38;
	[tilespmem:$0x1E880] =	vst v63  }
0xb4: {  	_ =	swait.ge [sflag:s10], $0x2800  }
0xb5: {  	[sflag:s10] =	ssyncset.done $0x0  }
0xb6: {  	s17 =	rddreg [dreg:$0x1b];
	[sflag:s10] =	ssyncadd.s32 $0xFFFFD800  }
0xb7: {  	[spmem:s17] =	stream.linear.scatter [tilespmem:s6], [sflag:$0x5], $0x2800, $0x38;
	[tilespmem:$0x1E880] =	vst v63  }
0xb8: {  	_ =	swait.ge [sflag:s10], $0x2800  }
0xb9: {  	[sflag:s10] =	ssyncset.done $0x0  }
0xba: {  	s4 =	simm.s32 @!p0 $0x1C080;
	s6 =	rddreg [dreg:$0x1c];
	[sflag:s10] =	ssyncadd.s32 $0xFFFFD800  }
0xbb: {  	[spmem:s6] =	stream.linear.scatter @!p0 [tilespmem:s4], [sflag:$0x5], $0x2800, $0x38;
	[tilespmem:$0x1E880] =	vst v63  }
0xbc: {  	s4 =	simm.s32 @!p0 $0x5  }
.Ltmp3:
0xbd: {  	_ =	swait.ge @!p0 [sflag:s4], $0x2800;
	(pc) =	sbr.rel .LBB2_4-.Ltmp3, $4  }
0xbe: {  	[sflag:s4] =	ssyncset.done @!p0 $0x0  }
0xbf: {  	[sflag:s4] =	ssyncadd.s32 @!p0 $0xFFFFD800  }
0xc0: {  	[bflag:$0x0] =	sbarrier.arrive $0xFFFF  }
0xc1: {  	s9 =	simm.s32 $0x0;
	s31 =	rddreg [dreg:$0x5]  }
.LBB2_8:
0xc2: {  	s9 =	sadd.s32 $0x400, s9  }
0xc3: {  	p1 =	sne.s32 s9, $0x2800  }
.Ltmp4:
0xc4: {  	_ = 	snop;
	(pc) =	sbr.rel @!p1 .LBB2_9-.Ltmp4, $2  }
0xc5: {  	_ =	sdelay $0x2  }
0xc6: {  	s31 =	sadd.s32 $0x40, s31  }
.LBB2_4:
0xc7: {  	_ =	swait.ge [sflag:s11], $0x2000  }
0xc8: {  	[sflag:s11] =	ssyncset.done $0x0  }
0xc9: {  	[sflag:s11] =	ssyncadd.s32 $0xFFFFE000  }
0xca: {  	_ =	swait.ge [sflag:s12], $0x2000  }
0xcb: {  	p1 =	seq.s32 s9, $0x0;
	[sflag:s12] =	ssyncset.done $0x0  }
0xcc: {  	s4 =	simm.s32 @!p1 $0x4;
	[sflag:s12] =	ssyncadd.s32 $0xFFFFE000  }
0xcd: {  	_ =	swait.ge @!p1 [sflag:s4], $0x4000  }
0xce: {  	[sflag:s4] =	ssyncset.done @!p1 $0x0  }
0xcf: {  	[sflag:s4] =	ssyncadd.s32 @!p1 $0xFFFFC000  }
0xd0: {  	[spmem:s18] =	stream.indirect.scatter.add.f32 [tilespmem:s5], [sflag:$0x4], $0x80, s0, s1, $0xb8;
	[tilespmem:$0x1E880] =	vst v63  }
0xd1: {  	_ =	swait.ge [sflag:s2], $0x80  }
0xd2: {  	[sflag:s2] =	ssyncset.done $0x0  }
0xd3: {  	[sflag:s2] =	ssyncadd.s32 $0xFFFFFF80  }
0xd4: {  	_ =	swait.ge [sflag:s2], $0x80  }
0xd5: {  	[sflag:s2] =	ssyncset.done $0x0  }
0xd6: {  	[sflag:s2] =	ssyncadd.s32 $0xFFFFFF80  }
0xd7: {  	_ =	swait.ge [sflag:s2], $0x80  }
0xd8: {  	[sflag:s2] =	ssyncset.done $0x0  }
0xd9: {  	[sflag:s2] =	ssyncadd.s32 $0xFFFFFF80  }
0xda: {  	v1 =	vld [tilespmem:$0x13B00]  }
0xdb: {  	v2 =	vld [tilespmem:$0x13900]  }
0xdc: {  	v3 =	vld [tilespmem:$0x13B10]  }
0xdd: {  	v4 =	vld [tilespmem:$0x13910]  }
0xde: {  	v5 =	vld [tilespmem:$0x13B20]  }
0xdf: {  	v6 =	vld [tilespmem:$0x13920]  }
0xe0: {  	v7 =	vld [tilespmem:$0x13B30]  }
0xe1: {  	v8 =	vld [tilespmem:$0x13930]  }
0xe2: {  	v9 =	vld [tilespmem:$0x13B40]  }
0xe3: {  	v10 =	vld [tilespmem:$0x13940]  }
0xe4: {  	v11 =	vld [tilespmem:$0x13B50]  }
0xe5: {  	v12 =	vld [tilespmem:$0x13950];
	v1 =	vmul.u32 $0x2710, v1  }
0xe6: {  	v13 =	vld [tilespmem:$0x13B60];
	v3 =	vmul.u32 $0x2710, v3  }
0xe7: {  	v48 =	vld [tilespmem:$0x13B70];
	v1 =	vadd.s32 v2, v1;
	v2 =	vmul.u32 $0x2710, v5  }
0xe8: {  	v49 =	vld [tilespmem:$0x13960];
	[tilespmem:$0x13F00] =	vst v1;
	v1 =	vadd.s32 v4, v3;
	v3 =	vmul.u32 $0x2710, v7  }
0xe9: {  	v50 =	vld [tilespmem:$0x13970];
	[tilespmem:$0x13F10] =	vst v1;
	v1 =	vadd.s32 v6, v2;
	v2 =	vmul.u32 $0x2710, v9  }
0xea: {  	[tilespmem:$0x13F20] =	vst v1;
	v1 =	vadd.s32 v8, v3;
	v3 =	vmul.u32 $0x2710, v11  }
0xeb: {  	[tilespmem:$0x13F30] =	vst v1;
	v1 =	vadd.s32 v10, v2;
	v2 =	vmul.u32 $0x2710, v13  }
0xec: {  	[tilespmem:$0x13F40] =	vst v1;
	v1 =	vadd.s32 v12, v3;
	v3 =	vmul.u32 $0x2710, v48  }
0xed: {  	[tilespmem:$0x13F50] =	vst v1;
	v1 =	vadd.s32 v49, v2  }
0xee: {  	[tilespmem:$0x13F60] =	vst v1;
	v1 =	vadd.s32 v50, v3  }
0xef: {  	s17 =	simm.s32 $0x13F00;
	[tilespmem:$0x13F70] =	vst v1  }
0xf0: {  	[tilespmem:s14], [sflag:$0x1] =	stream.indirect.gather [hbm4b:s22+s3], $0x80, s17, s3, $0xb8;
	[tilespmem:$0x1E880] =	vst v63  }
0xf1: {  	s6 =	sadd.s32 s9, s21  }
0xf2: {  	[tilespmem:s23], [sflag:$0x2] =	stream.indirect.gather [hbm4b:s22+s3], $0x80, s15, s3, $0xb8;
	[tilespmem:$0x1E880] =	vst v63  }
0xf3: {  	s13 =	sadd.s32 s9, s20;
	s4 =	sadd.s32 $0x200, s6  }
0xf4: {  	[tilespmem:s24], [sflag:$0x3] =	stream.linear.gather [hbm4b:s4+s16], $0x80, $0x38;
	[tilespmem:$0x1E880] =	vst v63  }
0xf5: {  	s17 =	sadd.s32 s9, s19;
	s4 =	sadd.s32 $0x200, s13  }
0xf6: {  	[tilespmem:s25], [sflag:$0x3] =	stream.linear.gather [hbm4b:s4+s16], $0x80, $0x38;
	[tilespmem:$0x1E880] =	vst v63  }
0xf7: {  	s4 =	sadd.s32 $0x200, s17  }
0xf8: {  	[tilespmem:s26], [sflag:$0x3] =	stream.linear.gather [hbm4b:s4+s16], $0x80, $0x38;
	[tilespmem:$0x1E880] =	vst v63  }
0xf9: {  	_ =	swait.ge [sflag:s11], $0x2000  }
0xfa: {  	[sflag:s11] =	ssyncset.done $0x0  }
0xfb: {  	[sflag:s11] =	ssyncadd.s32 $0xFFFFE000  }
0xfc: {  	_ =	swait.ge [sflag:s12], $0x2000  }
0xfd: {  	[sflag:s12] =	ssyncset.done $0x0  }
0xfe: {  	[sflag:s12] =	ssyncadd.s32 $0xFFFFE000  }
0xff: {  	_ =	swait.ge [sflag:s28], $0x4000  }
0x100: {  	[sflag:s28] =	ssyncset.done $0x0  }
0x101: {  	[sflag:s28] =	ssyncadd.s32 $0xFFFFC000  }
0x102: {  	[spmem:s18] =	stream.indirect.scatter.add.f32 [tilespmem:s14], [sflag:$0x4], $0x80, s8, s1, $0xb8;
	[tilespmem:$0x1E880] =	vst v63  }
0x103: {  	_ =	swait.ge [sflag:s2], $0x80  }
0x104: {  	[sflag:s2] =	ssyncset.done $0x0  }
0x105: {  	[sflag:s2] =	ssyncadd.s32 $0xFFFFFF80  }
0x106: {  	_ =	swait.ge [sflag:s2], $0x80  }
0x107: {  	[sflag:s2] =	ssyncset.done $0x0  }
0x108: {  	[sflag:s2] =	ssyncadd.s32 $0xFFFFFF80  }
0x109: {  	_ =	swait.ge [sflag:s2], $0x80  }
0x10a: {  	[sflag:s2] =	ssyncset.done $0x0  }
0x10b: {  	[sflag:s2] =	ssyncadd.s32 $0xFFFFFF80  }
0x10c: {  	v1 =	vld [tilespmem:$0x13B80]  }
0x10d: {  	v2 =	vld [tilespmem:$0x13980]  }
0x10e: {  	v3 =	vld [tilespmem:$0x13B90]  }
0x10f: {  	v51 =	vld [tilespmem:$0x13990]  }
0x110: {  	v52 =	vld [tilespmem:$0x13BA0]  }
0x111: {  	v53 =	vld [tilespmem:$0x139A0]  }
0x112: {  	v54 =	vld [tilespmem:$0x13BB0]  }
0x113: {  	v55 =	vld [tilespmem:$0x139B0]  }
0x114: {  	v56 =	vld [tilespmem:$0x13BC0]  }
0x115: {  	v57 =	vld [tilespmem:$0x139C0]  }
0x116: {  	v58 =	vld [tilespmem:$0x13BD0]  }
0x117: {  	v59 =	vld [tilespmem:$0x139D0];
	v1 =	vmul.u32 $0x2710, v1  }
0x118: {  	v60 =	vld [tilespmem:$0x13BE0];
	v3 =	vmul.u32 $0x2710, v3  }
0x119: {  	v61 =	vld [tilespmem:$0x13BF0];
	v1 =	vadd.s32 v2, v1;
	v2 =	vmul.u32 $0x2710, v52  }
0x11a: {  	v62 =	vld [tilespmem:$0x139E0];
	[tilespmem:$0x13F80] =	vst v1;
	v1 =	vadd.s32 v51, v3;
	v3 =	vmul.u32 $0x2710, v54  }
0x11b: {  	v63 =	vld [tilespmem:$0x139F0];
	[tilespmem:$0x13F90] =	vst v1;
	v1 =	vadd.s32 v53, v2;
	v2 =	vmul.u32 $0x2710, v56  }
0x11c: {  	[tilespmem:$0x13FA0] =	vst v1;
	v1 =	vadd.s32 v55, v3;
	v3 =	vmul.u32 $0x2710, v58  }
0x11d: {  	[tilespmem:$0x13FB0] =	vst v1;
	v1 =	vadd.s32 v57, v2;
	v2 =	vmul.u32 $0x2710, v60  }
0x11e: {  	[tilespmem:$0x13FC0] =	vst v1;
	v1 =	vadd.s32 v59, v3;
	v3 =	vmul.u32 $0x2710, v61  }
0x11f: {  	[tilespmem:$0x13FD0] =	vst v1;
	v1 =	vadd.s32 v62, v2  }
0x120: {  	[tilespmem:$0x13FE0] =	vst v1;
	v1 =	vadd.s32 v63, v3  }
0x121: {  	p1 =	sgt.u32 s31, $0x270;
	[tilespmem:$0x13FF0] =	vst v1  }
0x122: {  	[tilespmem:s5], [sflag:$0x1] =	stream.indirect.gather [hbm4b:s22+s3], $0x80, s29, s3, $0xb8;
	[tilespmem:$0x1E880] =	vst v63  }
0x123: {  	s4 =	sadd.s32 @!p1 s9, s21  }
0x124: {  	[tilespmem:s7], [sflag:$0x2] =	stream.indirect.gather [hbm4b:s22+s3], $0x80, s30, s3, $0xb8;
	[tilespmem:$0x1E880] =	vst v63  }
0x125: {  	s6 =	simm.s32 @!p1 $0x0;
	s17 =	simm.s32 @!p1 $0x13A00;
	s4 =	sadd.s32 @!p1 $0x300, s4  }
0x126: {  	[tilespmem:s17], [sflag:$0x3] =	stream.linear.gather @!p1 [hbm4b:s4+s6], $0x80, $0x38;
	[tilespmem:$0x1E880] =	vst v63  }
0x127: {  	s4 =	sadd.s32 @!p1 s9, s20  }
0x128: {  	s17 =	simm.s32 @!p1 $0x13C00;
	s4 =	sadd.s32 @!p1 $0x300, s4  }
0x129: {  	[tilespmem:s17], [sflag:$0x3] =	stream.linear.gather @!p1 [hbm4b:s4+s6], $0x80, $0x38;
	[tilespmem:$0x1E880] =	vst v63  }
0x12a: {  	s4 =	sadd.s32 @!p1 s9, s19  }
0x12b: {  	s17 =	simm.s32 @!p1 $0x13E00;
	s4 =	sadd.s32 @!p1 $0x300, s4  }
0x12c: {  	[tilespmem:s17], [sflag:$0x3] =	stream.linear.gather @!p1 [hbm4b:s4+s6], $0x80, $0x38;
	[tilespmem:$0x1E880] =	vst v63  }
0x12d: {  	_ =	swait.ge [sflag:s11], $0x2000  }
0x12e: {  	[sflag:s11] =	ssyncset.done $0x0  }
0x12f: {  	[sflag:s11] =	ssyncadd.s32 $0xFFFFE000  }
0x130: {  	s4 =	sadd.s32 $0xFFFFFFF0, s31;
	_ =	swait.ge [sflag:s12], $0x2000  }
0x131: {  	p2 =	sgt.u32 s4, $0x260;
	[sflag:s12] =	ssyncset.done $0x0  }
.Ltmp5:
0x132: {  	[sflag:s12] =	ssyncadd.s32 $0xFFFFE000;
	(pc) =	sbr.rel @p2 .LBB2_6-.Ltmp5, $4  }
0x133: {  	_ =	swait.ge [sflag:s28], $0x4000  }
0x134: {  	[sflag:s28] =	ssyncset.done $0x0  }
0x135: {  	[sflag:s28] =	ssyncadd.s32 $0xFFFFC000  }
0x136: {  	[spmem:s18] =	stream.indirect.scatter.add.f32 [tilespmem:s5], [sflag:$0x4], $0x80, s26, s1, $0xb8;
	[tilespmem:$0x1E880] =	vst v63  }
0x137: {  	_ =	swait.ge [sflag:s2], $0x80  }
0x138: {  	[sflag:s2] =	ssyncset.done $0x0  }
0x139: {  	[sflag:s2] =	ssyncadd.s32 $0xFFFFFF80  }
0x13a: {  	_ =	swait.ge [sflag:s2], $0x80  }
0x13b: {  	[sflag:s2] =	ssyncset.done $0x0  }
0x13c: {  	[sflag:s2] =	ssyncadd.s32 $0xFFFFFF80  }
0x13d: {  	_ =	swait.ge [sflag:s2], $0x80  }
0x13e: {  	[sflag:s2] =	ssyncset.done $0x0  }
0x13f: {  	[sflag:s2] =	ssyncadd.s32 $0xFFFFFF80  }
0x140: {  	v1 =	vld [tilespmem:$0x13C00]  }
0x141: {  	v2 =	vld [tilespmem:$0x13A00]  }
0x142: {  	v3 =	vld [tilespmem:$0x13C10]  }
0x143: {  	v4 =	vld [tilespmem:$0x13A10]  }
0x144: {  	v5 =	vld [tilespmem:$0x13C20]  }
0x145: {  	v6 =	vld [tilespmem:$0x13A20]  }
0x146: {  	v7 =	vld [tilespmem:$0x13C30]  }
0x147: {  	v8 =	vld [tilespmem:$0x13A30]  }
0x148: {  	v9 =	vld [tilespmem:$0x13C40]  }
0x149: {  	v10 =	vld [tilespmem:$0x13A40]  }
0x14a: {  	v11 =	vld [tilespmem:$0x13C50]  }
0x14b: {  	v12 =	vld [tilespmem:$0x13A50];
	v1 =	vmul.u32 $0x2710, v1  }
0x14c: {  	v13 =	vld [tilespmem:$0x13C60];
	v3 =	vmul.u32 $0x2710, v3  }
0x14d: {  	v61 =	vld [tilespmem:$0x13C70];
	v1 =	vadd.s32 v2, v1;
	v2 =	vmul.u32 $0x2710, v5  }
0x14e: {  	v62 =	vld [tilespmem:$0x13A60];
	[tilespmem:$0x14000] =	vst v1;
	v1 =	vadd.s32 v4, v3;
	v3 =	vmul.u32 $0x2710, v7  }
0x14f: {  	v63 =	vld [tilespmem:$0x13A70];
	[tilespmem:$0x14010] =	vst v1;
	v1 =	vadd.s32 v6, v2;
	v2 =	vmul.u32 $0x2710, v9  }
0x150: {  	[tilespmem:$0x14020] =	vst v1;
	v1 =	vadd.s32 v8, v3;
	v3 =	vmul.u32 $0x2710, v11  }
0x151: {  	[tilespmem:$0x14030] =	vst v1;
	v1 =	vadd.s32 v10, v2;
	v2 =	vmul.u32 $0x2710, v13  }
0x152: {  	[tilespmem:$0x14040] =	vst v1;
	v1 =	vadd.s32 v12, v3;
	v3 =	vmul.u32 $0x2710, v61  }
0x153: {  	[tilespmem:$0x14050] =	vst v1;
	v1 =	vadd.s32 v62, v2  }
0x154: {  	[tilespmem:$0x14060] =	vst v1;
	v1 =	vadd.s32 v63, v3  }
0x155: {  	s6 =	simm.s32 $0x14000;
	p2 =	sgt.u32 s4, $0x250;
	[tilespmem:$0x14070] =	vst v1  }
0x156: {  	[tilespmem:s14], [sflag:$0x1] =	stream.indirect.gather [hbm4b:s22+s3], $0x80, s6, s3, $0xb8;
	[tilespmem:$0x1E880] =	vst v63  }
0x157: {  	s13 =	simm.s32 $0x14040;
	s4 =	sadd.s32 @!p2 s9, s21  }
0x158: {  	[tilespmem:s23], [sflag:$0x2] =	stream.indirect.gather [hbm4b:s22+s3], $0x80, s13, s3, $0xb8;
	[tilespmem:$0x1E880] =	vst v63  }
0x159: {  	s4 =	sadd.s32 @!p2 $0x400, s4;
	s6 =	simm.s32 @!p2 $0x0;
	s13 =	simm.s32 @!p2 $0x13880  }
0x15a: {  	[tilespmem:s13], [sflag:$0x3] =	stream.linear.gather @!p2 [hbm4b:s4+s6], $0x80, $0x38;
	[tilespmem:$0x1E880] =	vst v63  }
0x15b: {  	s4 =	sadd.s32 @!p2 s9, s20  }
0x15c: {  	s13 =	simm.s32 @!p2 $0x13A80;
	s4 =	sadd.s32 @!p2 $0x400, s4  }
0x15d: {  	[tilespmem:s13], [sflag:$0x3] =	stream.linear.gather @!p2 [hbm4b:s4+s6], $0x80, $0x38;
	[tilespmem:$0x1E880] =	vst v63  }
0x15e: {  	s4 =	sadd.s32 @!p2 s9, s19  }
0x15f: {  	s13 =	simm.s32 @!p2 $0x13C80;
	s4 =	sadd.s32 @!p2 $0x400, s4  }
0x160: {  	[tilespmem:s13], [sflag:$0x3] =	stream.linear.gather @!p2 [hbm4b:s4+s6], $0x80, $0x38;
	[tilespmem:$0x1E880] =	vst v63  }
.LBB2_6:
0x161: {  	s4 =	simm.s32 @!p1 $0x1  }
0x162: {  	_ =	swait.ge @!p1 [sflag:s4], $0x2000  }
0x163: {  	[sflag:s4] =	ssyncset.done @!p1 $0x0  }
0x164: {  	[sflag:s4] =	ssyncadd.s32 @!p1 $0xFFFFE000;
	s4 =	simm.s32 @!p1 $0x2  }
0x165: {  	_ =	swait.ge @!p1 [sflag:s4], $0x2000  }
0x166: {  	[sflag:s4] =	ssyncset.done @!p1 $0x0  }
0x167: {  	[sflag:s4] =	ssyncadd.s32 @!p1 $0xFFFFE000;
	s4 =	simm.s32 @!p1 $0x4  }
0x168: {  	_ =	swait.ge @!p1 [sflag:s4], $0x4000  }
0x169: {  	s6 =	simm.s32 @!p1 $0x18080;
	[sflag:s4] =	ssyncset.done @!p1 $0x0  }
0x16a: {  	p2 =	sgt.u32 @!p1 s31, $0x260;
	[sflag:s4] =	ssyncadd.s32 @!p1 $0xFFFFC000;
	s4 =	simm.s32 @!p1 $0x80  }
0x16b: {  	[spmem:s18] =	stream.indirect.scatter.add.f32 @!p1 [tilespmem:s6], [sflag:$0x4], $0x80, s17, s4, $0xb8;
	[tilespmem:$0x1E880] =	vst v63  }
0x16c: {  	p1 =	por p1, p2  }
.Ltmp6:
0x16d: {  	_ = 	snop;
	(pc) =	sbr.rel @p1 .LBB2_8-.Ltmp6, $1  }
0x16e: {  	_ =	sdelay $0x3  }
0x16f: {  	_ =	swait.ge [sflag:s2], $0x80  }
0x170: {  	[sflag:s2] =	ssyncset.done $0x0  }
0x171: {  	[sflag:s2] =	ssyncadd.s32 $0xFFFFFF80  }
0x172: {  	_ =	swait.ge [sflag:s2], $0x80  }
0x173: {  	[sflag:s2] =	ssyncset.done $0x0  }
0x174: {  	[sflag:s2] =	ssyncadd.s32 $0xFFFFFF80  }
0x175: {  	_ =	swait.ge [sflag:s2], $0x80  }
0x176: {  	[sflag:s2] =	ssyncset.done $0x0  }
0x177: {  	[sflag:s2] =	ssyncadd.s32 $0xFFFFFF80  }
0x178: {  	v1 =	vld [tilespmem:$0x13A80]  }
0x179: {  	v2 =	vld [tilespmem:$0x13880]  }
0x17a: {  	v3 =	vld [tilespmem:$0x13A90]  }
0x17b: {  	v4 =	vld [tilespmem:$0x13890]  }
0x17c: {  	v5 =	vld [tilespmem:$0x13AA0]  }
0x17d: {  	v6 =	vld [tilespmem:$0x138A0]  }
0x17e: {  	v7 =	vld [tilespmem:$0x13AB0]  }
0x17f: {  	v8 =	vld [tilespmem:$0x138B0]  }
0x180: {  	v9 =	vld [tilespmem:$0x13AC0]  }
0x181: {  	v10 =	vld [tilespmem:$0x138C0]  }
0x182: {  	v11 =	vld [tilespmem:$0x13AD0]  }
0x183: {  	v12 =	vld [tilespmem:$0x138D0];
	v1 =	vmul.u32 $0x2710, v1  }
0x184: {  	v13 =	vld [tilespmem:$0x13AE0];
	v3 =	vmul.u32 $0x2710, v3  }
0x185: {  	v61 =	vld [tilespmem:$0x13AF0];
	v1 =	vadd.s32 v2, v1;
	v2 =	vmul.u32 $0x2710, v5  }
0x186: {  	v62 =	vld [tilespmem:$0x138E0];
	[tilespmem:$0x13E80] =	vst v1;
	v1 =	vadd.s32 v4, v3;
	v3 =	vmul.u32 $0x2710, v7  }
0x187: {  	v63 =	vld [tilespmem:$0x138F0];
	[tilespmem:$0x13E90] =	vst v1;
	v1 =	vadd.s32 v6, v2;
	v2 =	vmul.u32 $0x2710, v9  }
0x188: {  	[tilespmem:$0x13EA0] =	vst v1;
	v1 =	vadd.s32 v8, v3;
	v3 =	vmul.u32 $0x2710, v11  }
0x189: {  	[tilespmem:$0x13EB0] =	vst v1;
	v1 =	vadd.s32 v10, v2;
	v2 =	vmul.u32 $0x2710, v13  }
0x18a: {  	[tilespmem:$0x13EC0] =	vst v1;
	v1 =	vadd.s32 v12, v3;
	v3 =	vmul.u32 $0x2710, v61  }
0x18b: {  	[tilespmem:$0x13ED0] =	vst v1;
	v1 =	vadd.s32 v62, v2  }
0x18c: {  	[tilespmem:$0x13EE0] =	vst v1;
	v1 =	vadd.s32 v63, v3  }
0x18d: {  	s4 =	simm.s32 $0x13E80;
	p1 =	sgt.u32 s31, $0x250;
	[tilespmem:$0x13EF0] =	vst v1  }
0x18e: {  	[tilespmem:s5], [sflag:$0x1] =	stream.indirect.gather [hbm4b:s22+s3], $0x80, s4, s3, $0xb8;
	[tilespmem:$0x1E880] =	vst v63  }
0x18f: {  	s17 =	simm.s32 $0x13EC0;
	s4 =	sadd.s32 @!p1 s9, s21  }
0x190: {  	[tilespmem:s7], [sflag:$0x2] =	stream.indirect.gather [hbm4b:s22+s3], $0x80, s17, s3, $0xb8;
	[tilespmem:$0x1E880] =	vst v63  }
0x191: {  	s6 =	simm.s32 @!p1 $0x0;
	s13 =	simm.s32 @!p1 $0x13900;
	s4 =	sadd.s32 @!p1 $0x500, s4  }
0x192: {  	[tilespmem:s13], [sflag:$0x3] =	stream.linear.gather @!p1 [hbm4b:s4+s6], $0x80, $0x38;
	[tilespmem:$0x1E880] =	vst v63  }
0x193: {  	s4 =	sadd.s32 @!p1 s9, s20  }
.Ltmp7:
0x194: {  	s13 =	simm.s32 @!p1 $0x13B00;
	s4 =	sadd.s32 @!p1 $0x500, s4;
	(pc) =	sbr.rel .LBB2_8-.Ltmp7, $4  }
0x195: {  	[tilespmem:s13], [sflag:$0x3] =	stream.linear.gather @!p1 [hbm4b:s4+s6], $0x80, $0x38;
	[tilespmem:$0x1E880] =	vst v63  }
0x196: {  	s4 =	sadd.s32 @!p1 s9, s19  }
0x197: {  	s13 =	simm.s32 @!p1 $0x13D00;
	s4 =	sadd.s32 @!p1 $0x500, s4  }
0x198: {  	[tilespmem:s13], [sflag:$0x3] =	stream.linear.gather @!p1 [hbm4b:s4+s6], $0x80, $0x38;
	[tilespmem:$0x1E880] =	vst v63  }
.LBB2_10:
0x199: {  	_ =	sfence.sel $0x180000  }
0x19a: {  	[bflag:$0x0] =	sbarrier.arrive $0xFFFF  }
0x19b: {  	_ =	strace $0x90000047  }
0x19c: {  	s0 =	stileid.u32;
	[bflag:$0x2] =	sbarrier.arrive $0xFFFF  }
0x19d: {  	p0 =	sne.s32 s0, $0x0;
	s0 =	rddreg [dreg:$0x4]  }
0x19e: {  	s0 =	sadd.s32 @!p0 $0x100000, s0  }
0x19f: {  	[sflag:s0] =	ssyncadd.tile.s32 @!p0 $0x1;
	_ =	shalt  }
.Lfunc_end2:
_tile_overlayer_lowered:
.L_overlay_start_2:
0x1a0: {  	(tag) =	ssettag $0x2  }
0x1a1: {  	s0 =	rddreg [dreg:$0x0];
	s2 =	stileid.u32  }
0x1a2: {  	s1 =	rddreg [dreg:$0x1];
	p0 =	sne.s32 s2, $0x0  }
0x1a3: {  	s3 =	rddreg [dreg:$0x2];
	[bflag:$0x3] =	sbarrier.arrive $0xFFFF;
	s2 =	simm.s32 @!p0 $0x1C05  }
0x1a4: {  	[timem:s3], [sflag:s2] =	dma.local @!p0 [hbm:s0], s1  }
0x1a5: {  	s0 =	simm.s32 @!p0 $0x5  }
0x1a6: {  	_ =	swait.ge @!p0 [sflag:s0], s1  }
0x1a7: {  	s1 =	ssub.s32 @!p0 $0x0, s1;
	[sflag:s0] =	ssyncset.done @!p0 $0x0  }
0x1a8: {  	[sflag:s0] =	ssyncadd.s32 @!p0 s1  }
0x1a9: {  	[bflag:$0x3] =	sbarrier.arrive $0xFFFF  }
0x1aa: {  	_ =	shalt  }

</sc_bundles>
